<compile_context>
chip_gen: v7x
topology: tpu7x:2x2x1
jax: 0.10.2.dev20260603
libtpu: 0.0.44.dev20260713+nightly
codegen_flags: <defaults>
</compile_context>

<pallas_src>
import jax
import jax.numpy as jnp
from jax import lax
from jax.experimental import pallas as pl
from jax.experimental.pallas import tpu as pltpu
from jax.experimental.pallas import tpu_sc as plsc

N = 10000
E = 320000
D = 128
NR = 200
NT = 366

NC = 2
NS = 16
NW = NC * NS
C = 80
SB = 5
NCHUNK = 250 // 2
NSUPER = NCHUNK // SB
EPW = NCHUNK * C
NPAD = 10240
RPT = NPAD // NS
PKC = 4 * C


def _sc_body(h_hbm, pk_hbm, rel_hbm, time_hbm,
             pa_out, deg_out,
             pa_s, rel_s, time_s,
             idxS, dst_v, hbuf, relbuf, timebuf, hist_v,
             sem_h, sem_r, sem_t):
    c = lax.axis_index("c")
    s = lax.axis_index("s")

    z16 = jnp.zeros((16,), jnp.float32)
    o16 = jnp.ones((16,), jnp.float32)

    def zhist(i, carry):
        hist_v[pl.ds(i * 16, 16)] = z16
        return carry
    lax.fori_loop(0, NPAD // 16, zhist, 0)

    def zrow(i, carry):
        for d8 in range(8):
            hbuf[i, pl.ds(d8 * 16, 16)] = z16
        return carry
    lax.fori_loop(0, C, zrow, 0)

    base_row = s * RPT
    for j in range(RPT // C):
        pltpu.sync_copy(hbuf, pa_s.at[pl.ds(base_row + j * C, C), :])

    @pl.when(s == 0)
    def _():
        pltpu.sync_copy(rel_hbm, rel_s)
        pltpu.sync_copy(time_hbm, time_s)

    plsc.subcore_barrier()

    w = c * NS + s
    gbase = w * NCHUNK

    def superchunk(b, carry):
        pltpu.sync_copy(pk_hbm.at[pl.ds((gbase + b * SB) * PKC, SB * PKC)],
                        idxS)
        for k in range(SB):
            o = k * PKC
            cp_r = pltpu.async_copy(rel_s.at[idxS.at[pl.ds(o + C, C)]],
                                    relbuf, sem_r)
            cp_t = pltpu.async_copy(time_s.at[idxS.at[pl.ds(o + 2 * C, C)]],
                                    timebuf, sem_t)
            for q in range(C // 16):
                dst_v[pl.ds(q * 16, 16)] = idxS[pl.ds(o + 3 * C + q * 16, 16)]
            cp_r.wait()
            cp_t.wait()

            def frow(r, inner):
                for d8 in range(8):
                    sl = pl.ds(d8 * 16, 16)
                    hbuf[r, sl] = hbuf[r, sl] + relbuf[r, sl] * timebuf[r, sl]
                return inner
            lax.fori_loop(0, C, frow, 0)

            pltpu.sync_copy(hbuf, pa_s.at[dst_v], add=True)

            for q in range(C // 16):
                idx16 = dst_v[pl.ds(q * 16, 16)]
                plsc.store_scatter(hist_v, [idx16], o16)
        return carry

    lax.fori_loop(0, NSUPER, superchunk, 0)

    plsc.subcore_barrier()

    pltpu.sync_copy(pa_s.at[pl.ds(base_row, RPT), :],
                    pa_out.at[c, pl.ds(base_row, RPT), :])
    pltpu.sync_copy(hist_v, deg_out.at[w, :])


_sc_call = pl.kernel(
    _sc_body,
    out_type=[
        jax.ShapeDtypeStruct((NC, NPAD, D), jnp.float32),
        jax.ShapeDtypeStruct((NW, NPAD), jnp.float32),
    ],
    mesh=plsc.VectorSubcoreMesh(core_axis_name="c", subcore_axis_name="s"),
    compiler_params=pltpu.CompilerParams(needs_layout_passes=False),
    scratch_types=[
        pltpu.VMEM_SHARED((NPAD, D), jnp.float32),
        pltpu.VMEM_SHARED((NR, D), jnp.float32),
        pltpu.VMEM_SHARED((NT, D), jnp.float32),
        pltpu.VMEM((SB * PKC,), jnp.int32),
        pltpu.VMEM((C,), jnp.int32),
        pltpu.VMEM((C, D), jnp.float32),
        pltpu.VMEM((C, D), jnp.float32),
        pltpu.VMEM((C, D), jnp.float32),
        pltpu.VMEM((NPAD,), jnp.float32),
        pltpu.SemaphoreType.DMA,
        pltpu.SemaphoreType.DMA,
        pltpu.SemaphoreType.DMA,
    ],
)


BLK = 1000


def _tc_body(pa_ref, deg_ref, h_ref, norm_ref, wn_ref, wl_ref, we_ref, o_ref):
    pa = pa_ref[0] + pa_ref[1]
    deg = jnp.sum(deg_ref[...], axis=1)[:, None]
    hb = h_ref[...]
    agg = jnp.dot(pa, wn_ref[...], preferred_element_type=jnp.float32)
    lm = jnp.dot(hb, wl_ref[...], preferred_element_type=jnp.float32)
    le = jnp.dot(hb, we_ref[...], preferred_element_type=jnp.float32)
    o_ref[...] = agg * norm_ref[...] + jnp.where(deg > 0.0, lm, le)


def _tc_call(pa, deg, h, norm, wn, wl, we):
    return pl.pallas_call(
        _tc_body,
        grid=(N // BLK,),
        in_specs=[
            pl.BlockSpec((NC, BLK, D), lambda i: (0, i, 0)),
            pl.BlockSpec((BLK, NW), lambda i: (i, 0)),
            pl.BlockSpec((BLK, D), lambda i: (i, 0)),
            pl.BlockSpec((BLK, 1), lambda i: (i, 0)),
            pl.BlockSpec((D, D), lambda i: (0, 0)),
            pl.BlockSpec((D, D), lambda i: (0, 0)),
            pl.BlockSpec((D, D), lambda i: (0, 0)),
        ],
        out_specs=pl.BlockSpec((BLK, D), lambda i: (i, 0)),
        out_shape=jax.ShapeDtypeStruct((N, D), jnp.float32),
    )(pa, deg, h, norm, wn, wl, we)


def kernel(h, edge_index, edge_type, edge_time, norm, emb_rel, emb_time,
           weight_neighbor, loop_weight, evolve_loop_weight):
    src = edge_index[0].astype(jnp.int32)
    dst = edge_index[1].astype(jnp.int32)
    et = edge_type.astype(jnp.int32)
    tt = edge_time.astype(jnp.int32)
    packed = (jnp.stack([src, et, tt, dst])
              .reshape(4, E // C, C)
              .transpose(1, 0, 2)
              .reshape(-1))
    pa, deg = _sc_call(h, packed, emb_rel, emb_time)
    return _tc_call(pa, deg.T, h, norm, weight_neighbor, loop_weight,
                    evolve_loop_weight)

# --- scband reference (transcript-rebuilt; emitter-appended) ---
"""Pipeline reference for scband-union-rgcnlayer-63471026700599 (READ-ONLY COPY).

The authoritative reference and input builder live on the scoring server;
editing this copy changes nothing except your own understanding.
"""

import jax, jax.numpy as jnp
import numpy as np

N_NODES = 10000
N_EDGES = 320000
D = 128
NUM_RELS = 200
NUM_TIMES = 366


def setup_inputs(seed: int = 0) -> dict:
    key = jax.random.key(seed)
    ks = jax.random.split(key, 12)
    h = jax.random.normal(ks[0], (N_NODES, D), dtype=jnp.float32)
    edge_index = jax.random.randint(ks[1], (2, N_EDGES), 0, N_NODES, dtype=jnp.int64)
    edge_type = jax.random.randint(ks[2], (N_EDGES,), 0, NUM_RELS, dtype=jnp.int64)
    edge_time = jax.random.randint(ks[3], (N_EDGES,), 0, NUM_TIMES, dtype=jnp.int64)
    norm = jax.random.uniform(ks[4], (N_NODES, 1), dtype=jnp.float32)
    emb_rel = jax.random.normal(ks[5], (NUM_RELS, D), dtype=jnp.float32)
    emb_time = jax.random.normal(ks[6], (NUM_TIMES, D), dtype=jnp.float32)
    # Xavier-uniform initialized parameters (gain for relu = sqrt(2))
    gain = float(np.sqrt(2.0))
    bound = gain * float(np.sqrt(6.0 / (D + D)))
    weight_neighbor = jax.random.uniform(ks[7], (D, D), minval=-bound, maxval=bound, dtype=jnp.float32)
    loop_weight = jax.random.uniform(ks[8], (D, D), minval=-bound, maxval=bound, dtype=jnp.float32)
    evolve_loop_weight = jax.random.uniform(ks[9], (D, D), minval=-bound, maxval=bound, dtype=jnp.float32)
    return {
        "h": h,
        "edge_index": edge_index,
        "edge_type": edge_type,
        "edge_time": edge_time,
        "norm": norm,
        "emb_rel": emb_rel,
        "emb_time": emb_time,
        "weight_neighbor": weight_neighbor,
        "loop_weight": loop_weight,
        "evolve_loop_weight": evolve_loop_weight,
    }


def reference(h, edge_index, edge_type, edge_time, norm, emb_rel, emb_time,
              weight_neighbor, loop_weight, evolve_loop_weight):
    src = edge_index[0]
    dst = edge_index[1]
    n = h.shape[0]
    # self-loop message: evolve_loop_weight everywhere, overwritten by loop_weight
    # at nodes with in_degree > 0 (mirrors masked_index overwrite in torch code)
    in_deg = jax.ops.segment_sum(jnp.ones_like(dst, dtype=jnp.int32), dst, num_segments=n)
    loop_evolve = h @ evolve_loop_weight
    loop_main = h @ loop_weight
    loop_message = jnp.where((in_deg > 0)[:, None], loop_main, loop_evolve)
    # message function: (h_src + rel * time) @ W_neighbor
    e_time = jnp.take(emb_time, edge_time, axis=0)
    relation = jnp.take(emb_rel, edge_type, axis=0)
    node = jnp.take(h, src, axis=0)
    msg = (node + relation * e_time) @ weight_neighbor
    # sum aggregation by destination node, then apply_func: h * norm
    agg = jax.ops.segment_sum(msg, dst, num_segments=n)
    node_repr = agg * norm
    # add self-loop message (activation=None, dropout disabled)
    node_repr = node_repr + loop_message
    return node_repr

if __name__ == "__main__":
    import jax
    _d = setup_inputs()
    print(jax.jit(kernel)(*tuple(_d.values())))

</pallas_src>

<mosaic_0001>
#map = affine_map<(d0, d1) -> (0, 0)>
#map1 = affine_map<(d0, d1) -> (0)>
#map2 = affine_map<(d0, d1) -> (0, 0, 0)>
module attributes {stable_mosaic.version = 14 : i64} {
  func.func @_sc_body(%arg0: i32, %arg1: i32, %arg2: memref<10000x128xf32, #tpu.memory_space<hbm>>, %arg3: memref<1280000xi32, #tpu.memory_space<hbm>>, %arg4: memref<200x128xf32, #tpu.memory_space<hbm>>, %arg5: memref<366x128xf32, #tpu.memory_space<hbm>>, %arg6: memref<2x10240x128xf32, #tpu.memory_space<hbm>>, %arg7: memref<32x10240xf32, #tpu.memory_space<hbm>>, %arg8: memref<10240x128xf32, #tpu.memory_space<vmem_shared>>, %arg9: memref<200x128xf32, #tpu.memory_space<vmem_shared>>, %arg10: memref<366x128xf32, #tpu.memory_space<vmem_shared>>, %arg11: memref<1600xi32, #tpu.memory_space<vmem>>, %arg12: memref<80xi32, #tpu.memory_space<vmem>>, %arg13: memref<80x128xf32, #tpu.memory_space<vmem>>, %arg14: memref<80x128xf32, #tpu.memory_space<vmem>>, %arg15: memref<80x128xf32, #tpu.memory_space<vmem>>, %arg16: memref<10240xf32, #tpu.memory_space<vmem>>, %arg17: memref<!tpu.dma_semaphore, #tpu.memory_space<semaphore_mem>>, %arg18: memref<!tpu.dma_semaphore, #tpu.memory_space<semaphore_mem>>, %arg19: memref<!tpu.dma_semaphore, #tpu.memory_space<semaphore_mem>>) attributes {dimension_semantics = [#tpu.dimension_semantics<core_parallel>, #tpu.dimension_semantics<subcore_parallel>], iteration_bounds = array<i64: 2, 16>, scalar_prefetch = 0 : i64, scratch_operands = 12 : i64, tpu.core_type = #tpu.core_type<sc_vector_subcore>, window_params = [{transform_indices = #map}, {transform_indices = #map1}, {transform_indices = #map}, {transform_indices = #map}, {transform_indices = #map2}, {transform_indices = #map}]} {
    %broadcast_in_dim3A = arith.constant 0.000000e+00 : f32
    %broadcast_in_dim3A_0 = vector.broadcast %broadcast_in_dim3A : f32 to vector<16xf32>
    %broadcast_in_dim3A_1 = arith.constant 1.000000e+00 : f32
    %broadcast_in_dim3A_2 = vector.broadcast %broadcast_in_dim3A_1 : f32 to vector<16xf32>
    %scan3A = arith.constant 0 : i32
    %scan3A_3 = arith.constant 0 : i32
    %scan3A_4 = arith.constant 640 : i32
    %scan3A_5 = arith.addi %scan3A_3, %scan3A_4 : i32
    %scan3A_6 = arith.constant 1 : i32
    scf.for %scan3A_44 = %scan3A_3 to %scan3A_5 step %scan3A_6  : i32 {
      %mul3A_45 = arith.constant 16 : i32
      %mul3A_46 = arith.muli %scan3A_44, %mul3A_45 : i32
      %swap3A = arith.index_cast %mul3A_46 : i32 to index
      %swap3A_47 = tpu.vector_load %arg16[%swap3A] {strides = array<i32>} : memref<10240xf32, #tpu.memory_space<vmem>>, vector<16xf32>,
      tpu.vector_store %arg16[%swap3A], %broadcast_in_dim3A_0 {strides = array<i32>} : memref<10240xf32, #tpu.memory_space<vmem>>, vector<16xf32>,
    }
    %scan3A_7 = arith.constant 640 : i32
    %scan3A_8 = arith.constant 0 : i32
    %scan3A_9 = arith.constant 0 : i32
    %scan3A_10 = arith.constant 80 : i32
    %scan3A_11 = arith.addi %scan3A_9, %scan3A_10 : i32
    %scan3A_12 = arith.constant 1 : i32
    scf.for %scan3A_44 = %scan3A_9 to %scan3A_11 step %scan3A_12  : i32 {
      %swap3A = arith.index_cast %scan3A_44 : i32 to index
      %swap3A_45 = arith.constant 0 : index
      %swap3A_46 = tpu.vector_load %arg13[%swap3A, %swap3A_45] {strides = array<i32>} : memref<80x128xf32, #tpu.memory_space<vmem>>, vector<16xf32>,
      tpu.vector_store %arg13[%swap3A, %swap3A_45], %broadcast_in_dim3A_0 {strides = array<i32>} : memref<80x128xf32, #tpu.memory_space<vmem>>, vector<16xf32>,
      %swap3A_47 = arith.index_cast %scan3A_44 : i32 to index
      %swap3A_48 = arith.constant 16 : index
      %swap3A_49 = tpu.vector_load %arg13[%swap3A_47, %swap3A_48] {strides = array<i32>} : memref<80x128xf32, #tpu.memory_space<vmem>>, vector<16xf32>,
      tpu.vector_store %arg13[%swap3A_47, %swap3A_48], %broadcast_in_dim3A_0 {strides = array<i32>} : memref<80x128xf32, #tpu.memory_space<vmem>>, vector<16xf32>,
      %swap3A_50 = arith.index_cast %scan3A_44 : i32 to index
      %swap3A_51 = arith.constant 32 : index
      %swap3A_52 = tpu.vector_load %arg13[%swap3A_50, %swap3A_51] {strides = array<i32>} : memref<80x128xf32, #tpu.memory_space<vmem>>, vector<16xf32>,
      tpu.vector_store %arg13[%swap3A_50, %swap3A_51], %broadcast_in_dim3A_0 {strides = array<i32>} : memref<80x128xf32, #tpu.memory_space<vmem>>, vector<16xf32>,
      %swap3A_53 = arith.index_cast %scan3A_44 : i32 to index
      %swap3A_54 = arith.constant 48 : index
      %swap3A_55 = tpu.vector_load %arg13[%swap3A_53, %swap3A_54] {strides = array<i32>} : memref<80x128xf32, #tpu.memory_space<vmem>>, vector<16xf32>,
      tpu.vector_store %arg13[%swap3A_53, %swap3A_54], %broadcast_in_dim3A_0 {strides = array<i32>} : memref<80x128xf32, #tpu.memory_space<vmem>>, vector<16xf32>,
      %swap3A_56 = arith.index_cast %scan3A_44 : i32 to index
      %swap3A_57 = arith.constant 64 : index
      %swap3A_58 = tpu.vector_load %arg13[%swap3A_56, %swap3A_57] {strides = array<i32>} : memref<80x128xf32, #tpu.memory_space<vmem>>, vector<16xf32>,
      tpu.vector_store %arg13[%swap3A_56, %swap3A_57], %broadcast_in_dim3A_0 {strides = array<i32>} : memref<80x128xf32, #tpu.memory_space<vmem>>, vector<16xf32>,
      %swap3A_59 = arith.index_cast %scan3A_44 : i32 to index
      %swap3A_60 = arith.constant 80 : index
      %swap3A_61 = tpu.vector_load %arg13[%swap3A_59, %swap3A_60] {strides = array<i32>} : memref<80x128xf32, #tpu.memory_space<vmem>>, vector<16xf32>,
      tpu.vector_store %arg13[%swap3A_59, %swap3A_60], %broadcast_in_dim3A_0 {strides = array<i32>} : memref<80x128xf32, #tpu.memory_space<vmem>>, vector<16xf32>,
      %swap3A_62 = arith.index_cast %scan3A_44 : i32 to index
      %swap3A_63 = arith.constant 96 : index
      %swap3A_64 = tpu.vector_load %arg13[%swap3A_62, %swap3A_63] {strides = array<i32>} : memref<80x128xf32, #tpu.memory_space<vmem>>, vector<16xf32>,
      tpu.vector_store %arg13[%swap3A_62, %swap3A_63], %broadcast_in_dim3A_0 {strides = array<i32>} : memref<80x128xf32, #tpu.memory_space<vmem>>, vector<16xf32>,
      %swap3A_65 = arith.index_cast %scan3A_44 : i32 to index
      %swap3A_66 = arith.constant 112 : index
      %swap3A_67 = tpu.vector_load %arg13[%swap3A_65, %swap3A_66] {strides = array<i32>} : memref<80x128xf32, #tpu.memory_space<vmem>>, vector<16xf32>,
      tpu.vector_store %arg13[%swap3A_65, %swap3A_66], %broadcast_in_dim3A_0 {strides = array<i32>} : memref<80x128xf32, #tpu.memory_space<vmem>>, vector<16xf32>,
    }
    %scan3A_13 = arith.constant 80 : i32
    %mul3A = arith.constant 640 : i32
    %mul3A_14 = arith.muli %arg1, %mul3A : i32
    %add3A = arith.constant 0 : i32
    %add3A_15 = arith.addi %mul3A_14, %add3A : i32
    "tpu.region"() ({
      %run_scoped3A = tpu.sem_alloc : memref<!tpu.dma_semaphore, #tpu.memory_space<semaphore_mem>>
      %dma_start3A = arith.constant 0 : i32
      %dma_start3A_44 = tpu.memref_slice %arg8[%add3A_15, %dma_start3A] : memref<10240x128xf32, #tpu.memory_space<vmem_shared>> -> memref<80x128xf32, #tpu.memory_space<vmem_shared>>
      %dma_start3A_45 = arith.constant 0 : i32
      %dma_start3A_46 = tpu.memref_slice %arg8[%add3A_15, %dma_start3A_45] : memref<10240x128xf32, #tpu.memory_space<vmem_shared>> -> memref<80x128xf32, #tpu.memory_space<vmem_shared>>
      tpu.enqueue_dma source(%arg13 : memref<80x128xf32, #tpu.memory_space<vmem>>) target(%dma_start3A_46 : memref<80x128xf32, #tpu.memory_space<vmem_shared>>) target_semaphore(%run_scoped3A : memref<!tpu.dma_semaphore, #tpu.memory_space<semaphore_mem>>)
      %dma_wait3A = arith.constant 0 : i32
      %dma_wait3A_47 = tpu.memref_slice %arg8[%add3A_15, %dma_wait3A] : memref<10240x128xf32, #tpu.memory_space<vmem_shared>> -> memref<80x128xf32, #tpu.memory_space<vmem_shared>>
      %dma_wait3A_48 = arith.constant 0 : i32
      %dma_wait3A_49 = tpu.memref_slice %arg8[%add3A_15, %dma_wait3A_48] : memref<10240x128xf32, #tpu.memory_space<vmem_shared>> -> memref<80x128xf32, #tpu.memory_space<vmem_shared>>
      tpu.wait_dma2 semaphore(%run_scoped3A : memref<!tpu.dma_semaphore, #tpu.memory_space<semaphore_mem>>) src(%arg13 : memref<80x128xf32, #tpu.memory_space<vmem>>) dst(%dma_wait3A_49 : memref<80x128xf32, #tpu.memory_space<vmem_shared>>)
      tpu.yield
    }) : () -> ()
    %add3A_16 = arith.constant 80 : i32
    %add3A_17 = arith.addi %mul3A_14, %add3A_16 : i32
    "tpu.region"() ({
      %run_scoped3A = tpu.sem_alloc : memref<!tpu.dma_semaphore, #tpu.memory_space<semaphore_mem>>
      %dma_start3A = arith.constant 0 : i32
      %dma_start3A_44 = tpu.memref_slice %arg8[%add3A_17, %dma_start3A] : memref<10240x128xf32, #tpu.memory_space<vmem_shared>> -> memref<80x128xf32, #tpu.memory_space<vmem_shared>>
      %dma_start3A_45 = arith.constant 0 : i32
      %dma_start3A_46 = tpu.memref_slice %arg8[%add3A_17, %dma_start3A_45] : memref<10240x128xf32, #tpu.memory_space<vmem_shared>> -> memref<80x128xf32, #tpu.memory_space<vmem_shared>>
      tpu.enqueue_dma source(%arg13 : memref<80x128xf32, #tpu.memory_space<vmem>>) target(%dma_start3A_46 : memref<80x128xf32, #tpu.memory_space<vmem_shared>>) target_semaphore(%run_scoped3A : memref<!tpu.dma_semaphore, #tpu.memory_space<semaphore_mem>>)
      %dma_wait3A = arith.constant 0 : i32
      %dma_wait3A_47 = tpu.memref_slice %arg8[%add3A_17, %dma_wait3A] : memref<10240x128xf32, #tpu.memory_space<vmem_shared>> -> memref<80x128xf32, #tpu.memory_space<vmem_shared>>
      %dma_wait3A_48 = arith.constant 0 : i32
      %dma_wait3A_49 = tpu.memref_slice %arg8[%add3A_17, %dma_wait3A_48] : memref<10240x128xf32, #tpu.memory_space<vmem_shared>> -> memref<80x128xf32, #tpu.memory_space<vmem_shared>>
      tpu.wait_dma2 semaphore(%run_scoped3A : memref<!tpu.dma_semaphore, #tpu.memory_space<semaphore_mem>>) src(%arg13 : memref<80x128xf32, #tpu.memory_space<vmem>>) dst(%dma_wait3A_49 : memref<80x128xf32, #tpu.memory_space<vmem_shared>>)
      tpu.yield
    }) : () -> ()
    %add3A_18 = arith.constant 160 : i32
    %add3A_19 = arith.addi %mul3A_14, %add3A_18 : i32
    "tpu.region"() ({
      %run_scoped3A = tpu.sem_alloc : memref<!tpu.dma_semaphore, #tpu.memory_space<semaphore_mem>>
      %dma_start3A = arith.constant 0 : i32
      %dma_start3A_44 = tpu.memref_slice %arg8[%add3A_19, %dma_start3A] : memref<10240x128xf32, #tpu.memory_space<vmem_shared>> -> memref<80x128xf32, #tpu.memory_space<vmem_shared>>
      %dma_start3A_45 = arith.constant 0 : i32
      %dma_start3A_46 = tpu.memref_slice %arg8[%add3A_19, %dma_start3A_45] : memref<10240x128xf32, #tpu.memory_space<vmem_shared>> -> memref<80x128xf32, #tpu.memory_space<vmem_shared>>
      tpu.enqueue_dma source(%arg13 : memref<80x128xf32, #tpu.memory_space<vmem>>) target(%dma_start3A_46 : memref<80x128xf32, #tpu.memory_space<vmem_shared>>) target_semaphore(%run_scoped3A : memref<!tpu.dma_semaphore, #tpu.memory_space<semaphore_mem>>)
      %dma_wait3A = arith.constant 0 : i32
      %dma_wait3A_47 = tpu.memref_slice %arg8[%add3A_19, %dma_wait3A] : memref<10240x128xf32, #tpu.memory_space<vmem_shared>> -> memref<80x128xf32, #tpu.memory_space<vmem_shared>>
      %dma_wait3A_48 = arith.constant 0 : i32
      %dma_wait3A_49 = tpu.memref_slice %arg8[%add3A_19, %dma_wait3A_48] : memref<10240x128xf32, #tpu.memory_space<vmem_shared>> -> memref<80x128xf32, #tpu.memory_space<vmem_shared>>
      tpu.wait_dma2 semaphore(%run_scoped3A : memref<!tpu.dma_semaphore, #tpu.memory_space<semaphore_mem>>) src(%arg13 : memref<80x128xf32, #tpu.memory_space<vmem>>) dst(%dma_wait3A_49 : memref<80x128xf32, #tpu.memory_space<vmem_shared>>)
      tpu.yield
    }) : () -> ()
    %add3A_20 = arith.constant 240 : i32
    %add3A_21 = arith.addi %mul3A_14, %add3A_20 : i32
    "tpu.region"() ({
      %run_scoped3A = tpu.sem_alloc : memref<!tpu.dma_semaphore, #tpu.memory_space<semaphore_mem>>
      %dma_start3A = arith.constant 0 : i32
      %dma_start3A_44 = tpu.memref_slice %arg8[%add3A_21, %dma_start3A] : memref<10240x128xf32, #tpu.memory_space<vmem_shared>> -> memref<80x128xf32, #tpu.memory_space<vmem_shared>>
      %dma_start3A_45 = arith.constant 0 : i32
      %dma_start3A_46 = tpu.memref_slice %arg8[%add3A_21, %dma_start3A_45] : memref<10240x128xf32, #tpu.memory_space<vmem_shared>> -> memref<80x128xf32, #tpu.memory_space<vmem_shared>>
      tpu.enqueue_dma source(%arg13 : memref<80x128xf32, #tpu.memory_space<vmem>>) target(%dma_start3A_46 : memref<80x128xf32, #tpu.memory_space<vmem_shared>>) target_semaphore(%run_scoped3A : memref<!tpu.dma_semaphore, #tpu.memory_space<semaphore_mem>>)
      %dma_wait3A = arith.constant 0 : i32
      %dma_wait3A_47 = tpu.memref_slice %arg8[%add3A_21, %dma_wait3A] : memref<10240x128xf32, #tpu.memory_space<vmem_shared>> -> memref<80x128xf32, #tpu.memory_space<vmem_shared>>
      %dma_wait3A_48 = arith.constant 0 : i32
      %dma_wait3A_49 = tpu.memref_slice %arg8[%add3A_21, %dma_wait3A_48] : memref<10240x128xf32, #tpu.memory_space<vmem_shared>> -> memref<80x128xf32, #tpu.memory_space<vmem_shared>>
      tpu.wait_dma2 semaphore(%run_scoped3A : memref<!tpu.dma_semaphore, #tpu.memory_space<semaphore_mem>>) src(%arg13 : memref<80x128xf32, #tpu.memory_space<vmem>>) dst(%dma_wait3A_49 : memref<80x128xf32, #tpu.memory_space<vmem_shared>>)
      tpu.yield
    }) : () -> ()
    %add3A_22 = arith.constant 320 : i32
    %add3A_23 = arith.addi %mul3A_14, %add3A_22 : i32
    "tpu.region"() ({
      %run_scoped3A = tpu.sem_alloc : memref<!tpu.dma_semaphore, #tpu.memory_space<semaphore_mem>>
      %dma_start3A = arith.constant 0 : i32
      %dma_start3A_44 = tpu.memref_slice %arg8[%add3A_23, %dma_start3A] : memref<10240x128xf32, #tpu.memory_space<vmem_shared>> -> memref<80x128xf32, #tpu.memory_space<vmem_shared>>
      %dma_start3A_45 = arith.constant 0 : i32
      %dma_start3A_46 = tpu.memref_slice %arg8[%add3A_23, %dma_start3A_45] : memref<10240x128xf32, #tpu.memory_space<vmem_shared>> -> memref<80x128xf32, #tpu.memory_space<vmem_shared>>
      tpu.enqueue_dma source(%arg13 : memref<80x128xf32, #tpu.memory_space<vmem>>) target(%dma_start3A_46 : memref<80x128xf32, #tpu.memory_space<vmem_shared>>) target_semaphore(%run_scoped3A : memref<!tpu.dma_semaphore, #tpu.memory_space<semaphore_mem>>)
      %dma_wait3A = arith.constant 0 : i32
      %dma_wait3A_47 = tpu.memref_slice %arg8[%add3A_23, %dma_wait3A] : memref<10240x128xf32, #tpu.memory_space<vmem_shared>> -> memref<80x128xf32, #tpu.memory_space<vmem_shared>>
      %dma_wait3A_48 = arith.constant 0 : i32
      %dma_wait3A_49 = tpu.memref_slice %arg8[%add3A_23, %dma_wait3A_48] : memref<10240x128xf32, #tpu.memory_space<vmem_shared>> -> memref<80x128xf32, #tpu.memory_space<vmem_shared>>
      tpu.wait_dma2 semaphore(%run_scoped3A : memref<!tpu.dma_semaphore, #tpu.memory_space<semaphore_mem>>) src(%arg13 : memref<80x128xf32, #tpu.memory_space<vmem>>) dst(%dma_wait3A_49 : memref<80x128xf32, #tpu.memory_space<vmem_shared>>)
      tpu.yield
    }) : () -> ()
    %add3A_24 = arith.constant 400 : i32
    %add3A_25 = arith.addi %mul3A_14, %add3A_24 : i32
    "tpu.region"() ({
      %run_scoped3A = tpu.sem_alloc : memref<!tpu.dma_semaphore, #tpu.memory_space<semaphore_mem>>
      %dma_start3A = arith.constant 0 : i32
      %dma_start3A_44 = tpu.memref_slice %arg8[%add3A_25, %dma_start3A] : memref<10240x128xf32, #tpu.memory_space<vmem_shared>> -> memref<80x128xf32, #tpu.memory_space<vmem_shared>>
      %dma_start3A_45 = arith.constant 0 : i32
      %dma_start3A_46 = tpu.memref_slice %arg8[%add3A_25, %dma_start3A_45] : memref<10240x128xf32, #tpu.memory_space<vmem_shared>> -> memref<80x128xf32, #tpu.memory_space<vmem_shared>>
      tpu.enqueue_dma source(%arg13 : memref<80x128xf32, #tpu.memory_space<vmem>>) target(%dma_start3A_46 : memref<80x128xf32, #tpu.memory_space<vmem_shared>>) target_semaphore(%run_scoped3A : memref<!tpu.dma_semaphore, #tpu.memory_space<semaphore_mem>>)
      %dma_wait3A = arith.constant 0 : i32
      %dma_wait3A_47 = tpu.memref_slice %arg8[%add3A_25, %dma_wait3A] : memref<10240x128xf32, #tpu.memory_space<vmem_shared>> -> memref<80x128xf32, #tpu.memory_space<vmem_shared>>
      %dma_wait3A_48 = arith.constant 0 : i32
      %dma_wait3A_49 = tpu.memref_slice %arg8[%add3A_25, %dma_wait3A_48] : memref<10240x128xf32, #tpu.memory_space<vmem_shared>> -> memref<80x128xf32, #tpu.memory_space<vmem_shared>>
      tpu.wait_dma2 semaphore(%run_scoped3A : memref<!tpu.dma_semaphore, #tpu.memory_space<semaphore_mem>>) src(%arg13 : memref<80x128xf32, #tpu.memory_space<vmem>>) dst(%dma_wait3A_49 : memref<80x128xf32, #tpu.memory_space<vmem_shared>>)
      tpu.yield
    }) : () -> ()
    %add3A_26 = arith.constant 480 : i32
    %add3A_27 = arith.addi %mul3A_14, %add3A_26 : i32
    "tpu.region"() ({
      %run_scoped3A = tpu.sem_alloc : memref<!tpu.dma_semaphore, #tpu.memory_space<semaphore_mem>>
      %dma_start3A = arith.constant 0 : i32
      %dma_start3A_44 = tpu.memref_slice %arg8[%add3A_27, %dma_start3A] : memref<10240x128xf32, #tpu.memory_space<vmem_shared>> -> memref<80x128xf32, #tpu.memory_space<vmem_shared>>
      %dma_start3A_45 = arith.constant 0 : i32
      %dma_start3A_46 = tpu.memref_slice %arg8[%add3A_27, %dma_start3A_45] : memref<10240x128xf32, #tpu.memory_space<vmem_shared>> -> memref<80x128xf32, #tpu.memory_space<vmem_shared>>
      tpu.enqueue_dma source(%arg13 : memref<80x128xf32, #tpu.memory_space<vmem>>) target(%dma_start3A_46 : memref<80x128xf32, #tpu.memory_space<vmem_shared>>) target_semaphore(%run_scoped3A : memref<!tpu.dma_semaphore, #tpu.memory_space<semaphore_mem>>)
      %dma_wait3A = arith.constant 0 : i32
      %dma_wait3A_47 = tpu.memref_slice %arg8[%add3A_27, %dma_wait3A] : memref<10240x128xf32, #tpu.memory_space<vmem_shared>> -> memref<80x128xf32, #tpu.memory_space<vmem_shared>>
      %dma_wait3A_48 = arith.constant 0 : i32
      %dma_wait3A_49 = tpu.memref_slice %arg8[%add3A_27, %dma_wait3A_48] : memref<10240x128xf32, #tpu.memory_space<vmem_shared>> -> memref<80x128xf32, #tpu.memory_space<vmem_shared>>
      tpu.wait_dma2 semaphore(%run_scoped3A : memref<!tpu.dma_semaphore, #tpu.memory_space<semaphore_mem>>) src(%arg13 : memref<80x128xf32, #tpu.memory_space<vmem>>) dst(%dma_wait3A_49 : memref<80x128xf32, #tpu.memory_space<vmem_shared>>)
      tpu.yield
    }) : () -> ()
    %add3A_28 = arith.constant 560 : i32
    %add3A_29 = arith.addi %mul3A_14, %add3A_28 : i32
    "tpu.region"() ({
      %run_scoped3A = tpu.sem_alloc : memref<!tpu.dma_semaphore, #tpu.memory_space<semaphore_mem>>
      %dma_start3A = arith.constant 0 : i32
      %dma_start3A_44 = tpu.memref_slice %arg8[%add3A_29, %dma_start3A] : memref<10240x128xf32, #tpu.memory_space<vmem_shared>> -> memref<80x128xf32, #tpu.memory_space<vmem_shared>>
      %dma_start3A_45 = arith.constant 0 : i32
      %dma_start3A_46 = tpu.memref_slice %arg8[%add3A_29, %dma_start3A_45] : memref<10240x128xf32, #tpu.memory_space<vmem_shared>> -> memref<80x128xf32, #tpu.memory_space<vmem_shared>>
      tpu.enqueue_dma source(%arg13 : memref<80x128xf32, #tpu.memory_space<vmem>>) target(%dma_start3A_46 : memref<80x128xf32, #tpu.memory_space<vmem_shared>>) target_semaphore(%run_scoped3A : memref<!tpu.dma_semaphore, #tpu.memory_space<semaphore_mem>>)
      %dma_wait3A = arith.constant 0 : i32
      %dma_wait3A_47 = tpu.memref_slice %arg8[%add3A_29, %dma_wait3A] : memref<10240x128xf32, #tpu.memory_space<vmem_shared>> -> memref<80x128xf32, #tpu.memory_space<vmem_shared>>
      %dma_wait3A_48 = arith.constant 0 : i32
      %dma_wait3A_49 = tpu.memref_slice %arg8[%add3A_29, %dma_wait3A_48] : memref<10240x128xf32, #tpu.memory_space<vmem_shared>> -> memref<80x128xf32, #tpu.memory_space<vmem_shared>>
      tpu.wait_dma2 semaphore(%run_scoped3A : memref<!tpu.dma_semaphore, #tpu.memory_space<semaphore_mem>>) src(%arg13 : memref<80x128xf32, #tpu.memory_space<vmem>>) dst(%dma_wait3A_49 : memref<80x128xf32, #tpu.memory_space<vmem_shared>>)
      tpu.yield
    }) : () -> ()
    %eq3A = arith.constant 0 : i32
    %eq3A_30 = arith.cmpi eq, %arg1, %eq3A : i32
    %convert_element_type3A = arith.extui %eq3A_30 : i1 to i32
    %cond3A = arith.constant 0 : i32
    %cond3A_31 = arith.cmpi ne, %convert_element_type3A, %cond3A : i32
    scf.if %cond3A_31 {
      "tpu.region"() ({
        %run_scoped3A = tpu.sem_alloc : memref<!tpu.dma_semaphore, #tpu.memory_space<semaphore_mem>>
        tpu.enqueue_dma source(%arg4 : memref<200x128xf32, #tpu.memory_space<hbm>>) target(%arg9 : memref<200x128xf32, #tpu.memory_space<vmem_shared>>) target_semaphore(%run_scoped3A : memref<!tpu.dma_semaphore, #tpu.memory_space<semaphore_mem>>)
        tpu.wait_dma2 semaphore(%run_scoped3A : memref<!tpu.dma_semaphore, #tpu.memory_space<semaphore_mem>>) src(%arg4 : memref<200x128xf32, #tpu.memory_space<hbm>>) dst(%arg9 : memref<200x128xf32, #tpu.memory_space<vmem_shared>>)
        tpu.yield
      }) : () -> ()
      "tpu.region"() ({
        %run_scoped3A = tpu.sem_alloc : memref<!tpu.dma_semaphore, #tpu.memory_space<semaphore_mem>>
        tpu.enqueue_dma source(%arg5 : memref<366x128xf32, #tpu.memory_space<hbm>>) target(%arg10 : memref<366x128xf32, #tpu.memory_space<vmem_shared>>) target_semaphore(%run_scoped3A : memref<!tpu.dma_semaphore, #tpu.memory_space<semaphore_mem>>)
        tpu.wait_dma2 semaphore(%run_scoped3A : memref<!tpu.dma_semaphore, #tpu.memory_space<semaphore_mem>>) src(%arg5 : memref<366x128xf32, #tpu.memory_space<hbm>>) dst(%arg10 : memref<366x128xf32, #tpu.memory_space<vmem_shared>>)
        tpu.yield
      }) : () -> ()
    } else {
    }
    %barrier3A = arith.constant 0 : index
    tpu.barrier barrier_id(%barrier3A)
    %mul3A_32 = arith.constant 16 : i32
    %mul3A_33 = arith.muli %arg0, %mul3A_32 : i32
    %add3A_34 = arith.addi %mul3A_33, %arg1 : i32
    %mul3A_35 = arith.constant 125 : i32
    %mul3A_36 = arith.muli %add3A_34, %mul3A_35 : i32
    %scan3A_37 = arith.constant 0 : i32
    %scan3A_38 = arith.constant 0 : i32
    %scan3A_39 = arith.constant 25 : i32
    %scan3A_40 = arith.addi %scan3A_38, %scan3A_39 : i32
    %scan3A_41 = arith.constant 1 : i32
    scf.for %scan3A_44 = %scan3A_38 to %scan3A_40 step %scan3A_41  : i32 {
      %mul3A_45 = arith.constant 5 : i32
      %mul3A_46 = arith.muli %scan3A_44, %mul3A_45 : i32
      %add3A_47 = arith.addi %mul3A_36, %mul3A_46 : i32
      %mul3A_48 = arith.constant 320 : i32
      %mul3A_49 = arith.muli %add3A_47, %mul3A_48 : i32
      "tpu.region"() ({
        %run_scoped3A = tpu.sem_alloc : memref<!tpu.dma_semaphore, #tpu.memory_space<semaphore_mem>>
        %dma_start3A_326 = tpu.memref_slice %arg3[%mul3A_49] : memref<1280000xi32, #tpu.memory_space<hbm>> -> memref<1600xi32, #tpu.memory_space<hbm>>
        %dma_start3A_327 = tpu.memref_slice %arg3[%mul3A_49] : memref<1280000xi32, #tpu.memory_space<hbm>> -> memref<1600xi32, #tpu.memory_space<hbm>>
        tpu.enqueue_dma source(%dma_start3A_327 : memref<1600xi32, #tpu.memory_space<hbm>>) target(%arg11 : memref<1600xi32, #tpu.memory_space<vmem>>) target_semaphore(%run_scoped3A : memref<!tpu.dma_semaphore, #tpu.memory_space<semaphore_mem>>)
        %dma_wait3A_328 = tpu.memref_slice %arg3[%mul3A_49] : memref<1280000xi32, #tpu.memory_space<hbm>> -> memref<1600xi32, #tpu.memory_space<hbm>>
        %dma_wait3A_329 = tpu.memref_slice %arg3[%mul3A_49] : memref<1280000xi32, #tpu.memory_space<hbm>> -> memref<1600xi32, #tpu.memory_space<hbm>>
        tpu.wait_dma2 semaphore(%run_scoped3A : memref<!tpu.dma_semaphore, #tpu.memory_space<semaphore_mem>>) src(%dma_wait3A_329 : memref<1600xi32, #tpu.memory_space<hbm>>) dst(%arg11 : memref<1600xi32, #tpu.memory_space<vmem>>)
        tpu.yield
      }) : () -> ()
      %dma_start3A = arith.constant 80 : i32
      %dma_start3A_50 = tpu.memref_slice %arg11[%dma_start3A] : memref<1600xi32, #tpu.memory_space<vmem>> -> memref<80xi32, #tpu.memory_space<vmem>>
      %dma_start3A_51 = arith.constant 0 : i32
      %dma_start3A_52 = arith.constant 0 : i32
      %dma_start3A_53 = tpu.memref_slice %arg9[%dma_start3A_51, %dma_start3A_52] : memref<200x128xf32, #tpu.memory_space<vmem_shared>> -> memref<200x128xf32, #tpu.memory_space<vmem_shared>>
      tpu.enqueue_indirect_dma source(%dma_start3A_53 : memref<200x128xf32, #tpu.memory_space<vmem_shared>>) target(%arg14 : memref<80x128xf32, #tpu.memory_space<vmem>>) offsets(%dma_start3A_50 : memref<80xi32, #tpu.memory_space<vmem>>) semaphore(%arg18 : memref<!tpu.dma_semaphore, #tpu.memory_space<semaphore_mem>>)
      %dma_start3A_54 = arith.constant 160 : i32
      %dma_start3A_55 = tpu.memref_slice %arg11[%dma_start3A_54] : memref<1600xi32, #tpu.memory_space<vmem>> -> memref<80xi32, #tpu.memory_space<vmem>>
      %dma_start3A_56 = arith.constant 0 : i32
      %dma_start3A_57 = arith.constant 0 : i32
      %dma_start3A_58 = tpu.memref_slice %arg10[%dma_start3A_56, %dma_start3A_57] : memref<366x128xf32, #tpu.memory_space<vmem_shared>> -> memref<366x128xf32, #tpu.memory_space<vmem_shared>>
      tpu.enqueue_indirect_dma source(%dma_start3A_58 : memref<366x128xf32, #tpu.memory_space<vmem_shared>>) target(%arg15 : memref<80x128xf32, #tpu.memory_space<vmem>>) offsets(%dma_start3A_55 : memref<80xi32, #tpu.memory_space<vmem>>) semaphore(%arg19 : memref<!tpu.dma_semaphore, #tpu.memory_space<semaphore_mem>>)
      %get3A = arith.constant 240 : index
      %get3A_59 = tpu.vector_load %arg11[%get3A] {strides = array<i32>} : memref<1600xi32, #tpu.memory_space<vmem>>, vector<16xi32>,
      %swap3A = arith.constant 0 : index
      %swap3A_60 = tpu.vector_load %arg12[%swap3A] {strides = array<i32>} : memref<80xi32, #tpu.memory_space<vmem>>, vector<16xi32>,
      tpu.vector_store %arg12[%swap3A], %get3A_59 {strides = array<i32>} : memref<80xi32, #tpu.memory_space<vmem>>, vector<16xi32>,
      %get3A_61 = arith.constant 256 : index
      %get3A_62 = tpu.vector_load %arg11[%get3A_61] {strides = array<i32>} : memref<1600xi32, #tpu.memory_space<vmem>>, vector<16xi32>,
      %swap3A_63 = arith.constant 16 : index
      %swap3A_64 = tpu.vector_load %arg12[%swap3A_63] {strides = array<i32>} : memref<80xi32, #tpu.memory_space<vmem>>, vector<16xi32>,
      tpu.vector_store %arg12[%swap3A_63], %get3A_62 {strides = array<i32>} : memref<80xi32, #tpu.memory_space<vmem>>, vector<16xi32>,
      %get3A_65 = arith.constant 272 : index
      %get3A_66 = tpu.vector_load %arg11[%get3A_65] {strides = array<i32>} : memref<1600xi32, #tpu.memory_space<vmem>>, vector<16xi32>,
      %swap3A_67 = arith.constant 32 : index
      %swap3A_68 = tpu.vector_load %arg12[%swap3A_67] {strides = array<i32>} : memref<80xi32, #tpu.memory_space<vmem>>, vector<16xi32>,
      tpu.vector_store %arg12[%swap3A_67], %get3A_66 {strides = array<i32>} : memref<80xi32, #tpu.memory_space<vmem>>, vector<16xi32>,
      %get3A_69 = arith.constant 288 : index
      %get3A_70 = tpu.vector_load %arg11[%get3A_69] {strides = array<i32>} : memref<1600xi32, #tpu.memory_space<vmem>>, vector<16xi32>,
      %swap3A_71 = arith.constant 48 : index
      %swap3A_72 = tpu.vector_load %arg12[%swap3A_71] {strides = array<i32>} : memref<80xi32, #tpu.memory_space<vmem>>, vector<16xi32>,
      tpu.vector_store %arg12[%swap3A_71], %get3A_70 {strides = array<i32>} : memref<80xi32, #tpu.memory_space<vmem>>, vector<16xi32>,
      %get3A_73 = arith.constant 304 : index
      %get3A_74 = tpu.vector_load %arg11[%get3A_73] {strides = array<i32>} : memref<1600xi32, #tpu.memory_space<vmem>>, vector<16xi32>,
      %swap3A_75 = arith.constant 64 : index
      %swap3A_76 = tpu.vector_load %arg12[%swap3A_75] {strides = array<i32>} : memref<80xi32, #tpu.memory_space<vmem>>, vector<16xi32>,
      tpu.vector_store %arg12[%swap3A_75], %get3A_74 {strides = array<i32>} : memref<80xi32, #tpu.memory_space<vmem>>, vector<16xi32>,
      %dma_wait3A = arith.constant 80 : i32
      %dma_wait3A_77 = tpu.memref_slice %arg11[%dma_wait3A] : memref<1600xi32, #tpu.memory_space<vmem>> -> memref<80xi32, #tpu.memory_space<vmem>>
      %dma_wait3A_78 = arith.constant 0 : i32
      %dma_wait3A_79 = arith.constant 0 : i32
      %dma_wait3A_80 = tpu.memref_slice %arg9[%dma_wait3A_78, %dma_wait3A_79] : memref<200x128xf32, #tpu.memory_space<vmem_shared>> -> memref<200x128xf32, #tpu.memory_space<vmem_shared>>
      tpu.wait_indirect_dma semaphore(%arg18 : memref<!tpu.dma_semaphore, #tpu.memory_space<semaphore_mem>>) src(%dma_wait3A_80 : memref<200x128xf32, #tpu.memory_space<vmem_shared>>) dst(%arg14 : memref<80x128xf32, #tpu.memory_space<vmem>>)
      %dma_wait3A_81 = arith.constant 160 : i32
      %dma_wait3A_82 = tpu.memref_slice %arg11[%dma_wait3A_81] : memref<1600xi32, #tpu.memory_space<vmem>> -> memref<80xi32, #tpu.memory_space<vmem>>
      %dma_wait3A_83 = arith.constant 0 : i32
      %dma_wait3A_84 = arith.constant 0 : i32
      %dma_wait3A_85 = tpu.memref_slice %arg10[%dma_wait3A_83, %dma_wait3A_84] : memref<366x128xf32, #tpu.memory_space<vmem_shared>> -> memref<366x128xf32, #tpu.memory_space<vmem_shared>>
      tpu.wait_indirect_dma semaphore(%arg19 : memref<!tpu.dma_semaphore, #tpu.memory_space<semaphore_mem>>) src(%dma_wait3A_85 : memref<366x128xf32, #tpu.memory_space<vmem_shared>>) dst(%arg15 : memref<80x128xf32, #tpu.memory_space<vmem>>)
      %scan3A_86 = arith.constant 0 : i32
      %scan3A_87 = arith.constant 0 : i32
      %scan3A_88 = arith.constant 80 : i32
      %scan3A_89 = arith.addi %scan3A_87, %scan3A_88 : i32
      %scan3A_90 = arith.constant 1 : i32
      scf.for %scan3A_326 = %scan3A_87 to %scan3A_89 step %scan3A_90  : i32 {
        %get3A_327 = arith.index_cast %scan3A_326 : i32 to index
        %get3A_328 = arith.constant 0 : index
        %get3A_329 = tpu.vector_load %arg13[%get3A_327, %get3A_328] {strides = array<i32>} : memref<80x128xf32, #tpu.memory_space<vmem>>, vector<16xf32>,
        %get3A_330 = arith.index_cast %scan3A_326 : i32 to index
        %get3A_331 = arith.constant 0 : index
        %get3A_332 = tpu.vector_load %arg14[%get3A_330, %get3A_331] {strides = array<i32>} : memref<80x128xf32, #tpu.memory_space<vmem>>, vector<16xf32>,
        %get3A_333 = arith.index_cast %scan3A_326 : i32 to index
        %get3A_334 = arith.constant 0 : index
        %get3A_335 = tpu.vector_load %arg15[%get3A_333, %get3A_334] {strides = array<i32>} : memref<80x128xf32, #tpu.memory_space<vmem>>, vector<16xf32>,
        %mul3A_336 = arith.mulf %get3A_332, %get3A_335 : vector<16xf32>
        %add3A_337 = arith.addf %get3A_329, %mul3A_336 : vector<16xf32>
        %swap3A_338 = arith.index_cast %scan3A_326 : i32 to index
        %swap3A_339 = arith.constant 0 : index
        %swap3A_340 = tpu.vector_load %arg13[%swap3A_338, %swap3A_339] {strides = array<i32>} : memref<80x128xf32, #tpu.memory_space<vmem>>, vector<16xf32>,
        tpu.vector_store %arg13[%swap3A_338, %swap3A_339], %add3A_337 {strides = array<i32>} : memref<80x128xf32, #tpu.memory_space<vmem>>, vector<16xf32>,
        %get3A_341 = arith.index_cast %scan3A_326 : i32 to index
        %get3A_342 = arith.constant 16 : index
        %get3A_343 = tpu.vector_load %arg13[%get3A_341, %get3A_342] {strides = array<i32>} : memref<80x128xf32, #tpu.memory_space<vmem>>, vector<16xf32>,
        %get3A_344 = arith.index_cast %scan3A_326 : i32 to index
        %get3A_345 = arith.constant 16 : index
        %get3A_346 = tpu.vector_load %arg14[%get3A_344, %get3A_345] {strides = array<i32>} : memref<80x128xf32, #tpu.memory_space<vmem>>, vector<16xf32>,
        %get3A_347 = arith.index_cast %scan3A_326 : i32 to index
        %get3A_348 = arith.constant 16 : index
        %get3A_349 = tpu.vector_load %arg15[%get3A_347, %get3A_348] {strides = array<i32>} : memref<80x128xf32, #tpu.memory_space<vmem>>, vector<16xf32>,
        %mul3A_350 = arith.mulf %get3A_346, %get3A_349 : vector<16xf32>
        %add3A_351 = arith.addf %get3A_343, %mul3A_350 : vector<16xf32>
        %swap3A_352 = arith.index_cast %scan3A_326 : i32 to index
        %swap3A_353 = arith.constant 16 : index
        %swap3A_354 = tpu.vector_load %arg13[%swap3A_352, %swap3A_353] {strides = array<i32>} : memref<80x128xf32, #tpu.memory_space<vmem>>, vector<16xf32>,
        tpu.vector_store %arg13[%swap3A_352, %swap3A_353], %add3A_351 {strides = array<i32>} : memref<80x128xf32, #tpu.memory_space<vmem>>, vector<16xf32>,
        %get3A_355 = arith.index_cast %scan3A_326 : i32 to index
        %get3A_356 = arith.constant 32 : index
        %get3A_357 = tpu.vector_load %arg13[%get3A_355, %get3A_356] {strides = array<i32>} : memref<80x128xf32, #tpu.memory_space<vmem>>, vector<16xf32>,
        %get3A_358 = arith.index_cast %scan3A_326 : i32 to index
        %get3A_359 = arith.constant 32 : index
        %get3A_360 = tpu.vector_load %arg14[%get3A_358, %get3A_359] {strides = array<i32>} : memref<80x128xf32, #tpu.memory_space<vmem>>, vector<16xf32>,
        %get3A_361 = arith.index_cast %scan3A_326 : i32 to index
        %get3A_362 = arith.constant 32 : index
        %get3A_363 = tpu.vector_load %arg15[%get3A_361, %get3A_362] {strides = array<i32>} : memref<80x128xf32, #tpu.memory_space<vmem>>, vector<16xf32>,
        %mul3A_364 = arith.mulf %get3A_360, %get3A_363 : vector<16xf32>
        %add3A_365 = arith.addf %get3A_357, %mul3A_364 : vector<16xf32>
        %swap3A_366 = arith.index_cast %scan3A_326 : i32 to index
        %swap3A_367 = arith.constant 32 : index
        %swap3A_368 = tpu.vector_load %arg13[%swap3A_366, %swap3A_367] {strides = array<i32>} : memref<80x128xf32, #tpu.memory_space<vmem>>, vector<16xf32>,
        tpu.vector_store %arg13[%swap3A_366, %swap3A_367], %add3A_365 {strides = array<i32>} : memref<80x128xf32, #tpu.memory_space<vmem>>, vector<16xf32>,
        %get3A_369 = arith.index_cast %scan3A_326 : i32 to index
        %get3A_370 = arith.constant 48 : index
        %get3A_371 = tpu.vector_load %arg13[%get3A_369, %get3A_370] {strides = array<i32>} : memref<80x128xf32, #tpu.memory_space<vmem>>, vector<16xf32>,
        %get3A_372 = arith.index_cast %scan3A_326 : i32 to index
        %get3A_373 = arith.constant 48 : index
        %get3A_374 = tpu.vector_load %arg14[%get3A_372, %get3A_373] {strides = array<i32>} : memref<80x128xf32, #tpu.memory_space<vmem>>, vector<16xf32>,
        %get3A_375 = arith.index_cast %scan3A_326 : i32 to index
        %get3A_376 = arith.constant 48 : index
        %get3A_377 = tpu.vector_load %arg15[%get3A_375, %get3A_376] {strides = array<i32>} : memref<80x128xf32, #tpu.memory_space<vmem>>, vector<16xf32>,
        %mul3A_378 = arith.mulf %get3A_374, %get3A_377 : vector<16xf32>
        %add3A_379 = arith.addf %get3A_371, %mul3A_378 : vector<16xf32>
        %swap3A_380 = arith.index_cast %scan3A_326 : i32 to index
        %swap3A_381 = arith.constant 48 : index
        %swap3A_382 = tpu.vector_load %arg13[%swap3A_380, %swap3A_381] {strides = array<i32>} : memref<80x128xf32, #tpu.memory_space<vmem>>, vector<16xf32>,
        tpu.vector_store %arg13[%swap3A_380, %swap3A_381], %add3A_379 {strides = array<i32>} : memref<80x128xf32, #tpu.memory_space<vmem>>, vector<16xf32>,
        %get3A_383 = arith.index_cast %scan3A_326 : i32 to index
        %get3A_384 = arith.constant 64 : index
        %get3A_385 = tpu.vector_load %arg13[%get3A_383, %get3A_384] {strides = array<i32>} : memref<80x128xf32, #tpu.memory_space<vmem>>, vector<16xf32>,
        %get3A_386 = arith.index_cast %scan3A_326 : i32 to index
        %get3A_387 = arith.constant 64 : index
        %get3A_388 = tpu.vector_load %arg14[%get3A_386, %get3A_387] {strides = array<i32>} : memref<80x128xf32, #tpu.memory_space<vmem>>, vector<16xf32>,
        %get3A_389 = arith.index_cast %scan3A_326 : i32 to index
        %get3A_390 = arith.constant 64 : index
        %get3A_391 = tpu.vector_load %arg15[%get3A_389, %get3A_390] {strides = array<i32>} : memref<80x128xf32, #tpu.memory_space<vmem>>, vector<16xf32>,
        %mul3A_392 = arith.mulf %get3A_388, %get3A_391 : vector<16xf32>
        %add3A_393 = arith.addf %get3A_385, %mul3A_392 : vector<16xf32>
        %swap3A_394 = arith.index_cast %scan3A_326 : i32 to index
        %swap3A_395 = arith.constant 64 : index
        %swap3A_396 = tpu.vector_load %arg13[%swap3A_394, %swap3A_395] {strides = array<i32>} : memref<80x128xf32, #tpu.memory_space<vmem>>, vector<16xf32>,
        tpu.vector_store %arg13[%swap3A_394, %swap3A_395], %add3A_393 {strides = array<i32>} : memref<80x128xf32, #tpu.memory_space<vmem>>, vector<16xf32>,
        %get3A_397 = arith.index_cast %scan3A_326 : i32 to index
        %get3A_398 = arith.constant 80 : index
        %get3A_399 = tpu.vector_load %arg13[%get3A_397, %get3A_398] {strides = array<i32>} : memref<80x128xf32, #tpu.memory_space<vmem>>, vector<16xf32>,
        %get3A_400 = arith.index_cast %scan3A_326 : i32 to index
        %get3A_401 = arith.constant 80 : index
        %get3A_402 = tpu.vector_load %arg14[%get3A_400, %get3A_401] {strides = array<i32>} : memref<80x128xf32, #tpu.memory_space<vmem>>, vector<16xf32>,
        %get3A_403 = arith.index_cast %scan3A_326 : i32 to index
        %get3A_404 = arith.constant 80 : index
        %get3A_405 = tpu.vector_load %arg15[%get3A_403, %get3A_404] {strides = array<i32>} : memref<80x128xf32, #tpu.memory_space<vmem>>, vector<16xf32>,
        %mul3A_406 = arith.mulf %get3A_402, %get3A_405 : vector<16xf32>
        %add3A_407 = arith.addf %get3A_399, %mul3A_406 : vector<16xf32>
        %swap3A_408 = arith.index_cast %scan3A_326 : i32 to index
        %swap3A_409 = arith.constant 80 : index
        %swap3A_410 = tpu.vector_load %arg13[%swap3A_408, %swap3A_409] {strides = array<i32>} : memref<80x128xf32, #tpu.memory_space<vmem>>, vector<16xf32>,
        tpu.vector_store %arg13[%swap3A_408, %swap3A_409], %add3A_407 {strides = array<i32>} : memref<80x128xf32, #tpu.memory_space<vmem>>, vector<16xf32>,
        %get3A_411 = arith.index_cast %scan3A_326 : i32 to index
        %get3A_412 = arith.constant 96 : index
        %get3A_413 = tpu.vector_load %arg13[%get3A_411, %get3A_412] {strides = array<i32>} : memref<80x128xf32, #tpu.memory_space<vmem>>, vector<16xf32>,
        %get3A_414 = arith.index_cast %scan3A_326 : i32 to index
        %get3A_415 = arith.constant 96 : index
        %get3A_416 = tpu.vector_load %arg14[%get3A_414, %get3A_415] {strides = array<i32>} : memref<80x128xf32, #tpu.memory_space<vmem>>, vector<16xf32>,
        %get3A_417 = arith.index_cast %scan3A_326 : i32 to index
        %get3A_418 = arith.constant 96 : index
        %get3A_419 = tpu.vector_load %arg15[%get3A_417, %get3A_418] {strides = array<i32>} : memref<80x128xf32, #tpu.memory_space<vmem>>, vector<16xf32>,
        %mul3A_420 = arith.mulf %get3A_416, %get3A_419 : vector<16xf32>
        %add3A_421 = arith.addf %get3A_413, %mul3A_420 : vector<16xf32>
        %swap3A_422 = arith.index_cast %scan3A_326 : i32 to index
        %swap3A_423 = arith.constant 96 : index
        %swap3A_424 = tpu.vector_load %arg13[%swap3A_422, %swap3A_423] {strides = array<i32>} : memref<80x128xf32, #tpu.memory_space<vmem>>, vector<16xf32>,
        tpu.vector_store %arg13[%swap3A_422, %swap3A_423], %add3A_421 {strides = array<i32>} : memref<80x128xf32, #tpu.memory_space<vmem>>, vector<16xf32>,
        %get3A_425 = arith.index_cast %scan3A_326 : i32 to index
        %get3A_426 = arith.constant 112 : index
        %get3A_427 = tpu.vector_load %arg13[%get3A_425, %get3A_426] {strides = array<i32>} : memref<80x128xf32, #tpu.memory_space<vmem>>, vector<16xf32>,
        %get3A_428 = arith.index_cast %scan3A_326 : i32 to index
        %get3A_429 = arith.constant 112 : index
        %get3A_430 = tpu.vector_load %arg14[%get3A_428, %get3A_429] {strides = array<i32>} : memref<80x128xf32, #tpu.memory_space<vmem>>, vector<16xf32>,
        %get3A_431 = arith.index_cast %scan3A_326 : i32 to index
        %get3A_432 = arith.constant 112 : index
        %get3A_433 = tpu.vector_load %arg15[%get3A_431, %get3A_432] {strides = array<i32>} : memref<80x128xf32, #tpu.memory_space<vmem>>, vector<16xf32>,
        %mul3A_434 = arith.mulf %get3A_430, %get3A_433 : vector<16xf32>
        %add3A_435 = arith.addf %get3A_427, %mul3A_434 : vector<16xf32>
        %swap3A_436 = arith.index_cast %scan3A_326 : i32 to index
        %swap3A_437 = arith.constant 112 : index
        %swap3A_438 = tpu.vector_load %arg13[%swap3A_436, %swap3A_437] {strides = array<i32>} : memref<80x128xf32, #tpu.memory_space<vmem>>, vector<16xf32>,
        tpu.vector_store %arg13[%swap3A_436, %swap3A_437], %add3A_435 {strides = array<i32>} : memref<80x128xf32, #tpu.memory_space<vmem>>, vector<16xf32>,
      }
      %scan3A_91 = arith.constant 80 : i32
      "tpu.region"() ({
        %run_scoped3A = tpu.sem_alloc : memref<!tpu.dma_semaphore, #tpu.memory_space<semaphore_mem>>
        %dma_start3A_326 = arith.constant 0 : i32
        %dma_start3A_327 = arith.constant 0 : i32
        %dma_start3A_328 = tpu.memref_slice %arg8[%dma_start3A_326, %dma_start3A_327] : memref<10240x128xf32, #tpu.memory_space<vmem_shared>> -> memref<10240x128xf32, #tpu.memory_space<vmem_shared>>
        tpu.enqueue_indirect_dma source(%arg13 : memref<80x128xf32, #tpu.memory_space<vmem>>) target(%dma_start3A_328 : memref<10240x128xf32, #tpu.memory_space<vmem_shared>>) offsets(%arg12 : memref<80xi32, #tpu.memory_space<vmem>>) semaphore(%run_scoped3A : memref<!tpu.dma_semaphore, #tpu.memory_space<semaphore_mem>>) {add = true}
        %dma_wait3A_329 = arith.constant 0 : i32
        %dma_wait3A_330 = arith.constant 0 : i32
        %dma_wait3A_331 = tpu.memref_slice %arg8[%dma_wait3A_329, %dma_wait3A_330] : memref<10240x128xf32, #tpu.memory_space<vmem_shared>> -> memref<10240x128xf32, #tpu.memory_space<vmem_shared>>
        tpu.wait_indirect_dma semaphore(%run_scoped3A : memref<!tpu.dma_semaphore, #tpu.memory_space<semaphore_mem>>) src(%arg13 : memref<80x128xf32, #tpu.memory_space<vmem>>) dst(%dma_wait3A_331 : memref<10240x128xf32, #tpu.memory_space<vmem_shared>>)
        tpu.yield
      }) : () -> ()
      %get3A_92 = arith.constant 0 : index
      %get3A_93 = tpu.vector_load %arg12[%get3A_92] {strides = array<i32>} : memref<80xi32, #tpu.memory_space<vmem>>, vector<16xi32>,
      tpu.vector_store_idx %arg16[%get3A_93], %broadcast_in_dim3A_2 : memref<10240xf32, #tpu.memory_space<vmem>>[vector<16xi32>], vector<16xf32>,
      %get3A_94 = arith.constant 16 : index
      %get3A_95 = tpu.vector_load %arg12[%get3A_94] {strides = array<i32>} : memref<80xi32, #tpu.memory_space<vmem>>, vector<16xi32>,
      tpu.vector_store_idx %arg16[%get3A_95], %broadcast_in_dim3A_2 : memref<10240xf32, #tpu.memory_space<vmem>>[vector<16xi32>], vector<16xf32>,
      %get3A_96 = arith.constant 32 : index
      %get3A_97 = tpu.vector_load %arg12[%get3A_96] {strides = array<i32>} : memref<80xi32, #tpu.memory_space<vmem>>, vector<16xi32>,
      tpu.vector_store_idx %arg16[%get3A_97], %broadcast_in_dim3A_2 : memref<10240xf32, #tpu.memory_space<vmem>>[vector<16xi32>], vector<16xf32>,
      %get3A_98 = arith.constant 48 : index
      %get3A_99 = tpu.vector_load %arg12[%get3A_98] {strides = array<i32>} : memref<80xi32, #tpu.memory_space<vmem>>, vector<16xi32>,
      tpu.vector_store_idx %arg16[%get3A_99], %broadcast_in_dim3A_2 : memref<10240xf32, #tpu.memory_space<vmem>>[vector<16xi32>], vector<16xf32>,
      %get3A_100 = arith.constant 64 : index
      %get3A_101 = tpu.vector_load %arg12[%get3A_100] {strides = array<i32>} : memref<80xi32, #tpu.memory_space<vmem>>, vector<16xi32>,
      tpu.vector_store_idx %arg16[%get3A_101], %broadcast_in_dim3A_2 : memref<10240xf32, #tpu.memory_space<vmem>>[vector<16xi32>], vector<16xf32>,
      %dma_start3A_102 = arith.constant 400 : i32
      %dma_start3A_103 = tpu.memref_slice %arg11[%dma_start3A_102] : memref<1600xi32, #tpu.memory_space<vmem>> -> memref<80xi32, #tpu.memory_space<vmem>>
      %dma_start3A_104 = arith.constant 0 : i32
      %dma_start3A_105 = arith.constant 0 : i32
      %dma_start3A_106 = tpu.memref_slice %arg9[%dma_start3A_104, %dma_start3A_105] : memref<200x128xf32, #tpu.memory_space<vmem_shared>> -> memref<200x128xf32, #tpu.memory_space<vmem_shared>>
      tpu.enqueue_indirect_dma source(%dma_start3A_106 : memref<200x128xf32, #tpu.memory_space<vmem_shared>>) target(%arg14 : memref<80x128xf32, #tpu.memory_space<vmem>>) offsets(%dma_start3A_103 : memref<80xi32, #tpu.memory_space<vmem>>) semaphore(%arg18 : memref<!tpu.dma_semaphore, #tpu.memory_space<semaphore_mem>>)
      %dma_start3A_107 = arith.constant 480 : i32
      %dma_start3A_108 = tpu.memref_slice %arg11[%dma_start3A_107] : memref<1600xi32, #tpu.memory_space<vmem>> -> memref<80xi32, #tpu.memory_space<vmem>>
      %dma_start3A_109 = arith.constant 0 : i32
      %dma_start3A_110 = arith.constant 0 : i32
      %dma_start3A_111 = tpu.memref_slice %arg10[%dma_start3A_109, %dma_start3A_110] : memref<366x128xf32, #tpu.memory_space<vmem_shared>> -> memref<366x128xf32, #tpu.memory_space<vmem_shared>>
      tpu.enqueue_indirect_dma source(%dma_start3A_111 : memref<366x128xf32, #tpu.memory_space<vmem_shared>>) target(%arg15 : memref<80x128xf32, #tpu.memory_space<vmem>>) offsets(%dma_start3A_108 : memref<80xi32, #tpu.memory_space<vmem>>) semaphore(%arg19 : memref<!tpu.dma_semaphore, #tpu.memory_space<semaphore_mem>>)
      %get3A_112 = arith.constant 560 : index
      %get3A_113 = tpu.vector_load %arg11[%get3A_112] {strides = array<i32>} : memref<1600xi32, #tpu.memory_space<vmem>>, vector<16xi32>,
      %swap3A_114 = arith.constant 0 : index
      %swap3A_115 = tpu.vector_load %arg12[%swap3A_114] {strides = array<i32>} : memref<80xi32, #tpu.memory_space<vmem>>, vector<16xi32>,
      tpu.vector_store %arg12[%swap3A_114], %get3A_113 {strides = array<i32>} : memref<80xi32, #tpu.memory_space<vmem>>, vector<16xi32>,
      %get3A_116 = arith.constant 576 : index
      %get3A_117 = tpu.vector_load %arg11[%get3A_116] {strides = array<i32>} : memref<1600xi32, #tpu.memory_space<vmem>>, vector<16xi32>,
      %swap3A_118 = arith.constant 16 : index
      %swap3A_119 = tpu.vector_load %arg12[%swap3A_118] {strides = array<i32>} : memref<80xi32, #tpu.memory_space<vmem>>, vector<16xi32>,
      tpu.vector_store %arg12[%swap3A_118], %get3A_117 {strides = array<i32>} : memref<80xi32, #tpu.memory_space<vmem>>, vector<16xi32>,
      %get3A_120 = arith.constant 592 : index
      %get3A_121 = tpu.vector_load %arg11[%get3A_120] {strides = array<i32>} : memref<1600xi32, #tpu.memory_space<vmem>>, vector<16xi32>,
      %swap3A_122 = arith.constant 32 : index
      %swap3A_123 = tpu.vector_load %arg12[%swap3A_122] {strides = array<i32>} : memref<80xi32, #tpu.memory_space<vmem>>, vector<16xi32>,
      tpu.vector_store %arg12[%swap3A_122], %get3A_121 {strides = array<i32>} : memref<80xi32, #tpu.memory_space<vmem>>, vector<16xi32>,
      %get3A_124 = arith.constant 608 : index
      %get3A_125 = tpu.vector_load %arg11[%get3A_124] {strides = array<i32>} : memref<1600xi32, #tpu.memory_space<vmem>>, vector<16xi32>,
      %swap3A_126 = arith.constant 48 : index
      %swap3A_127 = tpu.vector_load %arg12[%swap3A_126] {strides = array<i32>} : memref<80xi32, #tpu.memory_space<vmem>>, vector<16xi32>,
      tpu.vector_store %arg12[%swap3A_126], %get3A_125 {strides = array<i32>} : memref<80xi32, #tpu.memory_space<vmem>>, vector<16xi32>,
      %get3A_128 = arith.constant 624 : index
      %get3A_129 = tpu.vector_load %arg11[%get3A_128] {strides = array<i32>} : memref<1600xi32, #tpu.memory_space<vmem>>, vector<16xi32>,
      %swap3A_130 = arith.constant 64 : index
      %swap3A_131 = tpu.vector_load %arg12[%swap3A_130] {strides = array<i32>} : memref<80xi32, #tpu.memory_space<vmem>>, vector<16xi32>,
      tpu.vector_store %arg12[%swap3A_130], %get3A_129 {strides = array<i32>} : memref<80xi32, #tpu.memory_space<vmem>>, vector<16xi32>,
      %dma_wait3A_132 = arith.constant 400 : i32
      %dma_wait3A_133 = tpu.memref_slice %arg11[%dma_wait3A_132] : memref<1600xi32, #tpu.memory_space<vmem>> -> memref<80xi32, #tpu.memory_space<vmem>>
      %dma_wait3A_134 = arith.constant 0 : i32
      %dma_wait3A_135 = arith.constant 0 : i32
      %dma_wait3A_136 = tpu.memref_slice %arg9[%dma_wait3A_134, %dma_wait3A_135] : memref<200x128xf32, #tpu.memory_space<vmem_shared>> -> memref<200x128xf32, #tpu.memory_space<vmem_shared>>
      tpu.wait_indirect_dma semaphore(%arg18 : memref<!tpu.dma_semaphore, #tpu.memory_space<semaphore_mem>>) src(%dma_wait3A_136 : memref<200x128xf32, #tpu.memory_space<vmem_shared>>) dst(%arg14 : memref<80x128xf32, #tpu.memory_space<vmem>>)
      %dma_wait3A_137 = arith.constant 480 : i32
      %dma_wait3A_138 = tpu.memref_slice %arg11[%dma_wait3A_137] : memref<1600xi32, #tpu.memory_space<vmem>> -> memref<80xi32, #tpu.memory_space<vmem>>
      %dma_wait3A_139 = arith.constant 0 : i32
      %dma_wait3A_140 = arith.constant 0 : i32
      %dma_wait3A_141 = tpu.memref_slice %arg10[%dma_wait3A_139, %dma_wait3A_140] : memref<366x128xf32, #tpu.memory_space<vmem_shared>> -> memref<366x128xf32, #tpu.memory_space<vmem_shared>>
      tpu.wait_indirect_dma semaphore(%arg19 : memref<!tpu.dma_semaphore, #tpu.memory_space<semaphore_mem>>) src(%dma_wait3A_141 : memref<366x128xf32, #tpu.memory_space<vmem_shared>>) dst(%arg15 : memref<80x128xf32, #tpu.memory_space<vmem>>)
      %scan3A_142 = arith.constant 0 : i32
      %scan3A_143 = arith.constant 0 : i32
      %scan3A_144 = arith.constant 80 : i32
      %scan3A_145 = arith.addi %scan3A_143, %scan3A_144 : i32
      %scan3A_146 = arith.constant 1 : i32
      scf.for %scan3A_326 = %scan3A_143 to %scan3A_145 step %scan3A_146  : i32 {
        %get3A_327 = arith.index_cast %scan3A_326 : i32 to index
        %get3A_328 = arith.constant 0 : index
        %get3A_329 = tpu.vector_load %arg13[%get3A_327, %get3A_328] {strides = array<i32>} : memref<80x128xf32, #tpu.memory_space<vmem>>, vector<16xf32>,
        %get3A_330 = arith.index_cast %scan3A_326 : i32 to index
        %get3A_331 = arith.constant 0 : index
        %get3A_332 = tpu.vector_load %arg14[%get3A_330, %get3A_331] {strides = array<i32>} : memref<80x128xf32, #tpu.memory_space<vmem>>, vector<16xf32>,
        %get3A_333 = arith.index_cast %scan3A_326 : i32 to index
        %get3A_334 = arith.constant 0 : index
        %get3A_335 = tpu.vector_load %arg15[%get3A_333, %get3A_334] {strides = array<i32>} : memref<80x128xf32, #tpu.memory_space<vmem>>, vector<16xf32>,
        %mul3A_336 = arith.mulf %get3A_332, %get3A_335 : vector<16xf32>
        %add3A_337 = arith.addf %get3A_329, %mul3A_336 : vector<16xf32>
        %swap3A_338 = arith.index_cast %scan3A_326 : i32 to index
        %swap3A_339 = arith.constant 0 : index
        %swap3A_340 = tpu.vector_load %arg13[%swap3A_338, %swap3A_339] {strides = array<i32>} : memref<80x128xf32, #tpu.memory_space<vmem>>, vector<16xf32>,
        tpu.vector_store %arg13[%swap3A_338, %swap3A_339], %add3A_337 {strides = array<i32>} : memref<80x128xf32, #tpu.memory_space<vmem>>, vector<16xf32>,
        %get3A_341 = arith.index_cast %scan3A_326 : i32 to index
        %get3A_342 = arith.constant 16 : index
        %get3A_343 = tpu.vector_load %arg13[%get3A_341, %get3A_342] {strides = array<i32>} : memref<80x128xf32, #tpu.memory_space<vmem>>, vector<16xf32>,
        %get3A_344 = arith.index_cast %scan3A_326 : i32 to index
        %get3A_345 = arith.constant 16 : index
        %get3A_346 = tpu.vector_load %arg14[%get3A_344, %get3A_345] {strides = array<i32>} : memref<80x128xf32, #tpu.memory_space<vmem>>, vector<16xf32>,
        %get3A_347 = arith.index_cast %scan3A_326 : i32 to index
        %get3A_348 = arith.constant 16 : index
        %get3A_349 = tpu.vector_load %arg15[%get3A_347, %get3A_348] {strides = array<i32>} : memref<80x128xf32, #tpu.memory_space<vmem>>, vector<16xf32>,
        %mul3A_350 = arith.mulf %get3A_346, %get3A_349 : vector<16xf32>
        %add3A_351 = arith.addf %get3A_343, %mul3A_350 : vector<16xf32>
        %swap3A_352 = arith.index_cast %scan3A_326 : i32 to index
        %swap3A_353 = arith.constant 16 : index
        %swap3A_354 = tpu.vector_load %arg13[%swap3A_352, %swap3A_353] {strides = array<i32>} : memref<80x128xf32, #tpu.memory_space<vmem>>, vector<16xf32>,
        tpu.vector_store %arg13[%swap3A_352, %swap3A_353], %add3A_351 {strides = array<i32>} : memref<80x128xf32, #tpu.memory_space<vmem>>, vector<16xf32>,
        %get3A_355 = arith.index_cast %scan3A_326 : i32 to index
        %get3A_356 = arith.constant 32 : index
        %get3A_357 = tpu.vector_load %arg13[%get3A_355, %get3A_356] {strides = array<i32>} : memref<80x128xf32, #tpu.memory_space<vmem>>, vector<16xf32>,
        %get3A_358 = arith.index_cast %scan3A_326 : i32 to index
        %get3A_359 = arith.constant 32 : index
        %get3A_360 = tpu.vector_load %arg14[%get3A_358, %get3A_359] {strides = array<i32>} : memref<80x128xf32, #tpu.memory_space<vmem>>, vector<16xf32>,
        %get3A_361 = arith.index_cast %scan3A_326 : i32 to index
        %get3A_362 = arith.constant 32 : index
        %get3A_363 = tpu.vector_load %arg15[%get3A_361, %get3A_362] {strides = array<i32>} : memref<80x128xf32, #tpu.memory_space<vmem>>, vector<16xf32>,
        %mul3A_364 = arith.mulf %get3A_360, %get3A_363 : vector<16xf32>
        %add3A_365 = arith.addf %get3A_357, %mul3A_364 : vector<16xf32>
        %swap3A_366 = arith.index_cast %scan3A_326 : i32 to index
        %swap3A_367 = arith.constant 32 : index
        %swap3A_368 = tpu.vector_load %arg13[%swap3A_366, %swap3A_367] {strides = array<i32>} : memref<80x128xf32, #tpu.memory_space<vmem>>, vector<16xf32>,
        tpu.vector_store %arg13[%swap3A_366, %swap3A_367], %add3A_365 {strides = array<i32>} : memref<80x128xf32, #tpu.memory_space<vmem>>, vector<16xf32>,
        %get3A_369 = arith.index_cast %scan3A_326 : i32 to index
        %get3A_370 = arith.constant 48 : index
        %get3A_371 = tpu.vector_load %arg13[%get3A_369, %get3A_370] {strides = array<i32>} : memref<80x128xf32, #tpu.memory_space<vmem>>, vector<16xf32>,
        %get3A_372 = arith.index_cast %scan3A_326 : i32 to index
        %get3A_373 = arith.constant 48 : index
        %get3A_374 = tpu.vector_load %arg14[%get3A_372, %get3A_373] {strides = array<i32>} : memref<80x128xf32, #tpu.memory_space<vmem>>, vector<16xf32>,
        %get3A_375 = arith.index_cast %scan3A_326 : i32 to index
        %get3A_376 = arith.constant 48 : index
        %get3A_377 = tpu.vector_load %arg15[%get3A_375, %get3A_376] {strides = array<i32>} : memref<80x128xf32, #tpu.memory_space<vmem>>, vector<16xf32>,
        %mul3A_378 = arith.mulf %get3A_374, %get3A_377 : vector<16xf32>
        %add3A_379 = arith.addf %get3A_371, %mul3A_378 : vector<16xf32>
        %swap3A_380 = arith.index_cast %scan3A_326 : i32 to index
        %swap3A_381 = arith.constant 48 : index
        %swap3A_382 = tpu.vector_load %arg13[%swap3A_380, %swap3A_381] {strides = array<i32>} : memref<80x128xf32, #tpu.memory_space<vmem>>, vector<16xf32>,
        tpu.vector_store %arg13[%swap3A_380, %swap3A_381], %add3A_379 {strides = array<i32>} : memref<80x128xf32, #tpu.memory_space<vmem>>, vector<16xf32>,
        %get3A_383 = arith.index_cast %scan3A_326 : i32 to index
        %get3A_384 = arith.constant 64 : index
        %get3A_385 = tpu.vector_load %arg13[%get3A_383, %get3A_384] {strides = array<i32>} : memref<80x128xf32, #tpu.memory_space<vmem>>, vector<16xf32>,
        %get3A_386 = arith.index_cast %scan3A_326 : i32 to index
        %get3A_387 = arith.constant 64 : index
        %get3A_388 = tpu.vector_load %arg14[%get3A_386, %get3A_387] {strides = array<i32>} : memref<80x128xf32, #tpu.memory_space<vmem>>, vector<16xf32>,
        %get3A_389 = arith.index_cast %scan3A_326 : i32 to index
        %get3A_390 = arith.constant 64 : index
        %get3A_391 = tpu.vector_load %arg15[%get3A_389, %get3A_390] {strides = array<i32>} : memref<80x128xf32, #tpu.memory_space<vmem>>, vector<16xf32>,
        %mul3A_392 = arith.mulf %get3A_388, %get3A_391 : vector<16xf32>
        %add3A_393 = arith.addf %get3A_385, %mul3A_392 : vector<16xf32>
        %swap3A_394 = arith.index_cast %scan3A_326 : i32 to index
        %swap3A_395 = arith.constant 64 : index
        %swap3A_396 = tpu.vector_load %arg13[%swap3A_394, %swap3A_395] {strides = array<i32>} : memref<80x128xf32, #tpu.memory_space<vmem>>, vector<16xf32>,
        tpu.vector_store %arg13[%swap3A_394, %swap3A_395], %add3A_393 {strides = array<i32>} : memref<80x128xf32, #tpu.memory_space<vmem>>, vector<16xf32>,
        %get3A_397 = arith.index_cast %scan3A_326 : i32 to index
        %get3A_398 = arith.constant 80 : index
        %get3A_399 = tpu.vector_load %arg13[%get3A_397, %get3A_398] {strides = array<i32>} : memref<80x128xf32, #tpu.memory_space<vmem>>, vector<16xf32>,
        %get3A_400 = arith.index_cast %scan3A_326 : i32 to index
        %get3A_401 = arith.constant 80 : index
        %get3A_402 = tpu.vector_load %arg14[%get3A_400, %get3A_401] {strides = array<i32>} : memref<80x128xf32, #tpu.memory_space<vmem>>, vector<16xf32>,
        %get3A_403 = arith.index_cast %scan3A_326 : i32 to index
        %get3A_404 = arith.constant 80 : index
        %get3A_405 = tpu.vector_load %arg15[%get3A_403, %get3A_404] {strides = array<i32>} : memref<80x128xf32, #tpu.memory_space<vmem>>, vector<16xf32>,
        %mul3A_406 = arith.mulf %get3A_402, %get3A_405 : vector<16xf32>
        %add3A_407 = arith.addf %get3A_399, %mul3A_406 : vector<16xf32>
        %swap3A_408 = arith.index_cast %scan3A_326 : i32 to index
        %swap3A_409 = arith.constant 80 : index
        %swap3A_410 = tpu.vector_load %arg13[%swap3A_408, %swap3A_409] {strides = array<i32>} : memref<80x128xf32, #tpu.memory_space<vmem>>, vector<16xf32>,
        tpu.vector_store %arg13[%swap3A_408, %swap3A_409], %add3A_407 {strides = array<i32>} : memref<80x128xf32, #tpu.memory_space<vmem>>, vector<16xf32>,
        %get3A_411 = arith.index_cast %scan3A_326 : i32 to index
        %get3A_412 = arith.constant 96 : index
        %get3A_413 = tpu.vector_load %arg13[%get3A_411, %get3A_412] {strides = array<i32>} : memref<80x128xf32, #tpu.memory_space<vmem>>, vector<16xf32>,
        %get3A_414 = arith.index_cast %scan3A_326 : i32 to index
        %get3A_415 = arith.constant 96 : index
        %get3A_416 = tpu.vector_load %arg14[%get3A_414, %get3A_415] {strides = array<i32>} : memref<80x128xf32, #tpu.memory_space<vmem>>, vector<16xf32>,
        %get3A_417 = arith.index_cast %scan3A_326 : i32 to index
        %get3A_418 = arith.constant 96 : index
        %get3A_419 = tpu.vector_load %arg15[%get3A_417, %get3A_418] {strides = array<i32>} : memref<80x128xf32, #tpu.memory_space<vmem>>, vector<16xf32>,
        %mul3A_420 = arith.mulf %get3A_416, %get3A_419 : vector<16xf32>
        %add3A_421 = arith.addf %get3A_413, %mul3A_420 : vector<16xf32>
        %swap3A_422 = arith.index_cast %scan3A_326 : i32 to index
        %swap3A_423 = arith.constant 96 : index
        %swap3A_424 = tpu.vector_load %arg13[%swap3A_422, %swap3A_423] {strides = array<i32>} : memref<80x128xf32, #tpu.memory_space<vmem>>, vector<16xf32>,
        tpu.vector_store %arg13[%swap3A_422, %swap3A_423], %add3A_421 {strides = array<i32>} : memref<80x128xf32, #tpu.memory_space<vmem>>, vector<16xf32>,
        %get3A_425 = arith.index_cast %scan3A_326 : i32 to index
        %get3A_426 = arith.constant 112 : index
        %get3A_427 = tpu.vector_load %arg13[%get3A_425, %get3A_426] {strides = array<i32>} : memref<80x128xf32, #tpu.memory_space<vmem>>, vector<16xf32>,
        %get3A_428 = arith.index_cast %scan3A_326 : i32 to index
        %get3A_429 = arith.constant 112 : index
        %get3A_430 = tpu.vector_load %arg14[%get3A_428, %get3A_429] {strides = array<i32>} : memref<80x128xf32, #tpu.memory_space<vmem>>, vector<16xf32>,
        %get3A_431 = arith.index_cast %scan3A_326 : i32 to index
        %get3A_432 = arith.constant 112 : index
        %get3A_433 = tpu.vector_load %arg15[%get3A_431, %get3A_432] {strides = array<i32>} : memref<80x128xf32, #tpu.memory_space<vmem>>, vector<16xf32>,
        %mul3A_434 = arith.mulf %get3A_430, %get3A_433 : vector<16xf32>
        %add3A_435 = arith.addf %get3A_427, %mul3A_434 : vector<16xf32>
        %swap3A_436 = arith.index_cast %scan3A_326 : i32 to index
        %swap3A_437 = arith.constant 112 : index
        %swap3A_438 = tpu.vector_load %arg13[%swap3A_436, %swap3A_437] {strides = array<i32>} : memref<80x128xf32, #tpu.memory_space<vmem>>, vector<16xf32>,
        tpu.vector_store %arg13[%swap3A_436, %swap3A_437], %add3A_435 {strides = array<i32>} : memref<80x128xf32, #tpu.memory_space<vmem>>, vector<16xf32>,
      }
      %scan3A_147 = arith.constant 80 : i32
      "tpu.region"() ({
        %run_scoped3A = tpu.sem_alloc : memref<!tpu.dma_semaphore, #tpu.memory_space<semaphore_mem>>
        %dma_start3A_326 = arith.constant 0 : i32
        %dma_start3A_327 = arith.constant 0 : i32
        %dma_start3A_328 = tpu.memref_slice %arg8[%dma_start3A_326, %dma_start3A_327] : memref<10240x128xf32, #tpu.memory_space<vmem_shared>> -> memref<10240x128xf32, #tpu.memory_space<vmem_shared>>
        tpu.enqueue_indirect_dma source(%arg13 : memref<80x128xf32, #tpu.memory_space<vmem>>) target(%dma_start3A_328 : memref<10240x128xf32, #tpu.memory_space<vmem_shared>>) offsets(%arg12 : memref<80xi32, #tpu.memory_space<vmem>>) semaphore(%run_scoped3A : memref<!tpu.dma_semaphore, #tpu.memory_space<semaphore_mem>>) {add = true}
        %dma_wait3A_329 = arith.constant 0 : i32
        %dma_wait3A_330 = arith.constant 0 : i32
        %dma_wait3A_331 = tpu.memref_slice %arg8[%dma_wait3A_329, %dma_wait3A_330] : memref<10240x128xf32, #tpu.memory_space<vmem_shared>> -> memref<10240x128xf32, #tpu.memory_space<vmem_shared>>
        tpu.wait_indirect_dma semaphore(%run_scoped3A : memref<!tpu.dma_semaphore, #tpu.memory_space<semaphore_mem>>) src(%arg13 : memref<80x128xf32, #tpu.memory_space<vmem>>) dst(%dma_wait3A_331 : memref<10240x128xf32, #tpu.memory_space<vmem_shared>>)
        tpu.yield
      }) : () -> ()
      %get3A_148 = arith.constant 0 : index
      %get3A_149 = tpu.vector_load %arg12[%get3A_148] {strides = array<i32>} : memref<80xi32, #tpu.memory_space<vmem>>, vector<16xi32>,
      tpu.vector_store_idx %arg16[%get3A_149], %broadcast_in_dim3A_2 : memref<10240xf32, #tpu.memory_space<vmem>>[vector<16xi32>], vector<16xf32>,
      %get3A_150 = arith.constant 16 : index
      %get3A_151 = tpu.vector_load %arg12[%get3A_150] {strides = array<i32>} : memref<80xi32, #tpu.memory_space<vmem>>, vector<16xi32>,
      tpu.vector_store_idx %arg16[%get3A_151], %broadcast_in_dim3A_2 : memref<10240xf32, #tpu.memory_space<vmem>>[vector<16xi32>], vector<16xf32>,
      %get3A_152 = arith.constant 32 : index
      %get3A_153 = tpu.vector_load %arg12[%get3A_152] {strides = array<i32>} : memref<80xi32, #tpu.memory_space<vmem>>, vector<16xi32>,
      tpu.vector_store_idx %arg16[%get3A_153], %broadcast_in_dim3A_2 : memref<10240xf32, #tpu.memory_space<vmem>>[vector<16xi32>], vector<16xf32>,
      %get3A_154 = arith.constant 48 : index
      %get3A_155 = tpu.vector_load %arg12[%get3A_154] {strides = array<i32>} : memref<80xi32, #tpu.memory_space<vmem>>, vector<16xi32>,
      tpu.vector_store_idx %arg16[%get3A_155], %broadcast_in_dim3A_2 : memref<10240xf32, #tpu.memory_space<vmem>>[vector<16xi32>], vector<16xf32>,
      %get3A_156 = arith.constant 64 : index
      %get3A_157 = tpu.vector_load %arg12[%get3A_156] {strides = array<i32>} : memref<80xi32, #tpu.memory_space<vmem>>, vector<16xi32>,
      tpu.vector_store_idx %arg16[%get3A_157], %broadcast_in_dim3A_2 : memref<10240xf32, #tpu.memory_space<vmem>>[vector<16xi32>], vector<16xf32>,
      %dma_start3A_158 = arith.constant 720 : i32
      %dma_start3A_159 = tpu.memref_slice %arg11[%dma_start3A_158] : memref<1600xi32, #tpu.memory_space<vmem>> -> memref<80xi32, #tpu.memory_space<vmem>>
      %dma_start3A_160 = arith.constant 0 : i32
      %dma_start3A_161 = arith.constant 0 : i32
      %dma_start3A_162 = tpu.memref_slice %arg9[%dma_start3A_160, %dma_start3A_161] : memref<200x128xf32, #tpu.memory_space<vmem_shared>> -> memref<200x128xf32, #tpu.memory_space<vmem_shared>>
      tpu.enqueue_indirect_dma source(%dma_start3A_162 : memref<200x128xf32, #tpu.memory_space<vmem_shared>>) target(%arg14 : memref<80x128xf32, #tpu.memory_space<vmem>>) offsets(%dma_start3A_159 : memref<80xi32, #tpu.memory_space<vmem>>) semaphore(%arg18 : memref<!tpu.dma_semaphore, #tpu.memory_space<semaphore_mem>>)
      %dma_start3A_163 = arith.constant 800 : i32
      %dma_start3A_164 = tpu.memref_slice %arg11[%dma_start3A_163] : memref<1600xi32, #tpu.memory_space<vmem>> -> memref<80xi32, #tpu.memory_space<vmem>>
      %dma_start3A_165 = arith.constant 0 : i32
      %dma_start3A_166 = arith.constant 0 : i32
      %dma_start3A_167 = tpu.memref_slice %arg10[%dma_start3A_165, %dma_start3A_166] : memref<366x128xf32, #tpu.memory_space<vmem_shared>> -> memref<366x128xf32, #tpu.memory_space<vmem_shared>>
      tpu.enqueue_indirect_dma source(%dma_start3A_167 : memref<366x128xf32, #tpu.memory_space<vmem_shared>>) target(%arg15 : memref<80x128xf32, #tpu.memory_space<vmem>>) offsets(%dma_start3A_164 : memref<80xi32, #tpu.memory_space<vmem>>) semaphore(%arg19 : memref<!tpu.dma_semaphore, #tpu.memory_space<semaphore_mem>>)
      %get3A_168 = arith.constant 880 : index
      %get3A_169 = tpu.vector_load %arg11[%get3A_168] {strides = array<i32>} : memref<1600xi32, #tpu.memory_space<vmem>>, vector<16xi32>,
      %swap3A_170 = arith.constant 0 : index
      %swap3A_171 = tpu.vector_load %arg12[%swap3A_170] {strides = array<i32>} : memref<80xi32, #tpu.memory_space<vmem>>, vector<16xi32>,
      tpu.vector_store %arg12[%swap3A_170], %get3A_169 {strides = array<i32>} : memref<80xi32, #tpu.memory_space<vmem>>, vector<16xi32>,
      %get3A_172 = arith.constant 896 : index
      %get3A_173 = tpu.vector_load %arg11[%get3A_172] {strides = array<i32>} : memref<1600xi32, #tpu.memory_space<vmem>>, vector<16xi32>,
      %swap3A_174 = arith.constant 16 : index
      %swap3A_175 = tpu.vector_load %arg12[%swap3A_174] {strides = array<i32>} : memref<80xi32, #tpu.memory_space<vmem>>, vector<16xi32>,
      tpu.vector_store %arg12[%swap3A_174], %get3A_173 {strides = array<i32>} : memref<80xi32, #tpu.memory_space<vmem>>, vector<16xi32>,
      %get3A_176 = arith.constant 912 : index
      %get3A_177 = tpu.vector_load %arg11[%get3A_176] {strides = array<i32>} : memref<1600xi32, #tpu.memory_space<vmem>>, vector<16xi32>,
      %swap3A_178 = arith.constant 32 : index
      %swap3A_179 = tpu.vector_load %arg12[%swap3A_178] {strides = array<i32>} : memref<80xi32, #tpu.memory_space<vmem>>, vector<16xi32>,
      tpu.vector_store %arg12[%swap3A_178], %get3A_177 {strides = array<i32>} : memref<80xi32, #tpu.memory_space<vmem>>, vector<16xi32>,
      %get3A_180 = arith.constant 928 : index
      %get3A_181 = tpu.vector_load %arg11[%get3A_180] {strides = array<i32>} : memref<1600xi32, #tpu.memory_space<vmem>>, vector<16xi32>,
      %swap3A_182 = arith.constant 48 : index
      %swap3A_183 = tpu.vector_load %arg12[%swap3A_182] {strides = array<i32>} : memref<80xi32, #tpu.memory_space<vmem>>, vector<16xi32>,
      tpu.vector_store %arg12[%swap3A_182], %get3A_181 {strides = array<i32>} : memref<80xi32, #tpu.memory_space<vmem>>, vector<16xi32>,
      %get3A_184 = arith.constant 944 : index
      %get3A_185 = tpu.vector_load %arg11[%get3A_184] {strides = array<i32>} : memref<1600xi32, #tpu.memory_space<vmem>>, vector<16xi32>,
      %swap3A_186 = arith.constant 64 : index
      %swap3A_187 = tpu.vector_load %arg12[%swap3A_186] {strides = array<i32>} : memref<80xi32, #tpu.memory_space<vmem>>, vector<16xi32>,
      tpu.vector_store %arg12[%swap3A_186], %get3A_185 {strides = array<i32>} : memref<80xi32, #tpu.memory_space<vmem>>, vector<16xi32>,
      %dma_wait3A_188 = arith.constant 720 : i32
      %dma_wait3A_189 = tpu.memref_slice %arg11[%dma_wait3A_188] : memref<1600xi32, #tpu.memory_space<vmem>> -> memref<80xi32, #tpu.memory_space<vmem>>
      %dma_wait3A_190 = arith.constant 0 : i32
      %dma_wait3A_191 = arith.constant 0 : i32
      %dma_wait3A_192 = tpu.memref_slice %arg9[%dma_wait3A_190, %dma_wait3A_191] : memref<200x128xf32, #tpu.memory_space<vmem_shared>> -> memref<200x128xf32, #tpu.memory_space<vmem_shared>>
      tpu.wait_indirect_dma semaphore(%arg18 : memref<!tpu.dma_semaphore, #tpu.memory_space<semaphore_mem>>) src(%dma_wait3A_192 : memref<200x128xf32, #tpu.memory_space<vmem_shared>>) dst(%arg14 : memref<80x128xf32, #tpu.memory_space<vmem>>)
      %dma_wait3A_193 = arith.constant 800 : i32
      %dma_wait3A_194 = tpu.memref_slice %arg11[%dma_wait3A_193] : memref<1600xi32, #tpu.memory_space<vmem>> -> memref<80xi32, #tpu.memory_space<vmem>>
      %dma_wait3A_195 = arith.constant 0 : i32
      %dma_wait3A_196 = arith.constant 0 : i32
      %dma_wait3A_197 = tpu.memref_slice %arg10[%dma_wait3A_195, %dma_wait3A_196] : memref<366x128xf32, #tpu.memory_space<vmem_shared>> -> memref<366x128xf32, #tpu.memory_space<vmem_shared>>
      tpu.wait_indirect_dma semaphore(%arg19 : memref<!tpu.dma_semaphore, #tpu.memory_space<semaphore_mem>>) src(%dma_wait3A_197 : memref<366x128xf32, #tpu.memory_space<vmem_shared>>) dst(%arg15 : memref<80x128xf32, #tpu.memory_space<vmem>>)
      %scan3A_198 = arith.constant 0 : i32
      %scan3A_199 = arith.constant 0 : i32
      %scan3A_200 = arith.constant 80 : i32
      %scan3A_201 = arith.addi %scan3A_199, %scan3A_200 : i32
      %scan3A_202 = arith.constant 1 : i32
      scf.for %scan3A_326 = %scan3A_199 to %scan3A_201 step %scan3A_202  : i32 {
        %get3A_327 = arith.index_cast %scan3A_326 : i32 to index
        %get3A_328 = arith.constant 0 : index
        %get3A_329 = tpu.vector_load %arg13[%get3A_327, %get3A_328] {strides = array<i32>} : memref<80x128xf32, #tpu.memory_space<vmem>>, vector<16xf32>,
        %get3A_330 = arith.index_cast %scan3A_326 : i32 to index
        %get3A_331 = arith.constant 0 : index
        %get3A_332 = tpu.vector_load %arg14[%get3A_330, %get3A_331] {strides = array<i32>} : memref<80x128xf32, #tpu.memory_space<vmem>>, vector<16xf32>,
        %get3A_333 = arith.index_cast %scan3A_326 : i32 to index
        %get3A_334 = arith.constant 0 : index
        %get3A_335 = tpu.vector_load %arg15[%get3A_333, %get3A_334] {strides = array<i32>} : memref<80x128xf32, #tpu.memory_space<vmem>>, vector<16xf32>,
        %mul3A_336 = arith.mulf %get3A_332, %get3A_335 : vector<16xf32>
        %add3A_337 = arith.addf %get3A_329, %mul3A_336 : vector<16xf32>
        %swap3A_338 = arith.index_cast %scan3A_326 : i32 to index
        %swap3A_339 = arith.constant 0 : index
        %swap3A_340 = tpu.vector_load %arg13[%swap3A_338, %swap3A_339] {strides = array<i32>} : memref<80x128xf32, #tpu.memory_space<vmem>>, vector<16xf32>,
        tpu.vector_store %arg13[%swap3A_338, %swap3A_339], %add3A_337 {strides = array<i32>} : memref<80x128xf32, #tpu.memory_space<vmem>>, vector<16xf32>,
        %get3A_341 = arith.index_cast %scan3A_326 : i32 to index
        %get3A_342 = arith.constant 16 : index
        %get3A_343 = tpu.vector_load %arg13[%get3A_341, %get3A_342] {strides = array<i32>} : memref<80x128xf32, #tpu.memory_space<vmem>>, vector<16xf32>,
        %get3A_344 = arith.index_cast %scan3A_326 : i32 to index
        %get3A_345 = arith.constant 16 : index
        %get3A_346 = tpu.vector_load %arg14[%get3A_344, %get3A_345] {strides = array<i32>} : memref<80x128xf32, #tpu.memory_space<vmem>>, vector<16xf32>,
        %get3A_347 = arith.index_cast %scan3A_326 : i32 to index
        %get3A_348 = arith.constant 16 : index
        %get3A_349 = tpu.vector_load %arg15[%get3A_347, %get3A_348] {strides = array<i32>} : memref<80x128xf32, #tpu.memory_space<vmem>>, vector<16xf32>,
        %mul3A_350 = arith.mulf %get3A_346, %get3A_349 : vector<16xf32>
        %add3A_351 = arith.addf %get3A_343, %mul3A_350 : vector<16xf32>
        %swap3A_352 = arith.index_cast %scan3A_326 : i32 to index
        %swap3A_353 = arith.constant 16 : index
        %swap3A_354 = tpu.vector_load %arg13[%swap3A_352, %swap3A_353] {strides = array<i32>} : memref<80x128xf32, #tpu.memory_space<vmem>>, vector<16xf32>,
        tpu.vector_store %arg13[%swap3A_352, %swap3A_353], %add3A_351 {strides = array<i32>} : memref<80x128xf32, #tpu.memory_space<vmem>>, vector<16xf32>,
        %get3A_355 = arith.index_cast %scan3A_326 : i32 to index
        %get3A_356 = arith.constant 32 : index
        %get3A_357 = tpu.vector_load %arg13[%get3A_355, %get3A_356] {strides = array<i32>} : memref<80x128xf32, #tpu.memory_space<vmem>>, vector<16xf32>,
        %get3A_358 = arith.index_cast %scan3A_326 : i32 to index
        %get3A_359 = arith.constant 32 : index
        %get3A_360 = tpu.vector_load %arg14[%get3A_358, %get3A_359] {strides = array<i32>} : memref<80x128xf32, #tpu.memory_space<vmem>>, vector<16xf32>,
        %get3A_361 = arith.index_cast %scan3A_326 : i32 to index
        %get3A_362 = arith.constant 32 : index
        %get3A_363 = tpu.vector_load %arg15[%get3A_361, %get3A_362] {strides = array<i32>} : memref<80x128xf32, #tpu.memory_space<vmem>>, vector<16xf32>,
        %mul3A_364 = arith.mulf %get3A_360, %get3A_363 : vector<16xf32>
        %add3A_365 = arith.addf %get3A_357, %mul3A_364 : vector<16xf32>
        %swap3A_366 = arith.index_cast %scan3A_326 : i32 to index
        %swap3A_367 = arith.constant 32 : index
        %swap3A_368 = tpu.vector_load %arg13[%swap3A_366, %swap3A_367] {strides = array<i32>} : memref<80x128xf32, #tpu.memory_space<vmem>>, vector<16xf32>,
        tpu.vector_store %arg13[%swap3A_366, %swap3A_367], %add3A_365 {strides = array<i32>} : memref<80x128xf32, #tpu.memory_space<vmem>>, vector<16xf32>,
        %get3A_369 = arith.index_cast %scan3A_326 : i32 to index
        %get3A_370 = arith.constant 48 : index
        %get3A_371 = tpu.vector_load %arg13[%get3A_369, %get3A_370] {strides = array<i32>} : memref<80x128xf32, #tpu.memory_space<vmem>>, vector<16xf32>,
        %get3A_372 = arith.index_cast %scan3A_326 : i32 to index
        %get3A_373 = arith.constant 48 : index
        %get3A_374 = tpu.vector_load %arg14[%get3A_372, %get3A_373] {strides = array<i32>} : memref<80x128xf32, #tpu.memory_space<vmem>>, vector<16xf32>,
        %get3A_375 = arith.index_cast %scan3A_326 : i32 to index
        %get3A_376 = arith.constant 48 : index
        %get3A_377 = tpu.vector_load %arg15[%get3A_375, %get3A_376] {strides = array<i32>} : memref<80x128xf32, #tpu.memory_space<vmem>>, vector<16xf32>,
        %mul3A_378 = arith.mulf %get3A_374, %get3A_377 : vector<16xf32>
        %add3A_379 = arith.addf %get3A_371, %mul3A_378 : vector<16xf32>
        %swap3A_380 = arith.index_cast %scan3A_326 : i32 to index
        %swap3A_381 = arith.constant 48 : index
        %swap3A_382 = tpu.vector_load %arg13[%swap3A_380, %swap3A_381] {strides = array<i32>} : memref<80x128xf32, #tpu.memory_space<vmem>>, vector<16xf32>,
        tpu.vector_store %arg13[%swap3A_380, %swap3A_381], %add3A_379 {strides = array<i32>} : memref<80x128xf32, #tpu.memory_space<vmem>>, vector<16xf32>,
        %get3A_383 = arith.index_cast %scan3A_326 : i32 to index
        %get3A_384 = arith.constant 64 : index
        %get3A_385 = tpu.vector_load %arg13[%get3A_383, %get3A_384] {strides = array<i32>} : memref<80x128xf32, #tpu.memory_space<vmem>>, vector<16xf32>,
        %get3A_386 = arith.index_cast %scan3A_326 : i32 to index
        %get3A_387 = arith.constant 64 : index
        %get3A_388 = tpu.vector_load %arg14[%get3A_386, %get3A_387] {strides = array<i32>} : memref<80x128xf32, #tpu.memory_space<vmem>>, vector<16xf32>,
        %get3A_389 = arith.index_cast %scan3A_326 : i32 to index
        %get3A_390 = arith.constant 64 : index
        %get3A_391 = tpu.vector_load %arg15[%get3A_389, %get3A_390] {strides = array<i32>} : memref<80x128xf32, #tpu.memory_space<vmem>>, vector<16xf32>,
        %mul3A_392 = arith.mulf %get3A_388, %get3A_391 : vector<16xf32>
        %add3A_393 = arith.addf %get3A_385, %mul3A_392 : vector<16xf32>
        %swap3A_394 = arith.index_cast %scan3A_326 : i32 to index
        %swap3A_395 = arith.constant 64 : index
        %swap3A_396 = tpu.vector_load %arg13[%swap3A_394, %swap3A_395] {strides = array<i32>} : memref<80x128xf32, #tpu.memory_space<vmem>>, vector<16xf32>,
        tpu.vector_store %arg13[%swap3A_394, %swap3A_395], %add3A_393 {strides = array<i32>} : memref<80x128xf32, #tpu.memory_space<vmem>>, vector<16xf32>,
        %get3A_397 = arith.index_cast %scan3A_326 : i32 to index
        %get3A_398 = arith.constant 80 : index
        %get3A_399 = tpu.vector_load %arg13[%get3A_397, %get3A_398] {strides = array<i32>} : memref<80x128xf32, #tpu.memory_space<vmem>>, vector<16xf32>,
        %get3A_400 = arith.index_cast %scan3A_326 : i32 to index
        %get3A_401 = arith.constant 80 : index
        %get3A_402 = tpu.vector_load %arg14[%get3A_400, %get3A_401] {strides = array<i32>} : memref<80x128xf32, #tpu.memory_space<vmem>>, vector<16xf32>,
        %get3A_403 = arith.index_cast %scan3A_326 : i32 to index
        %get3A_404 = arith.constant 80 : index
        %get3A_405 = tpu.vector_load %arg15[%get3A_403, %get3A_404] {strides = array<i32>} : memref<80x128xf32, #tpu.memory_space<vmem>>, vector<16xf32>,
        %mul3A_406 = arith.mulf %get3A_402, %get3A_405 : vector<16xf32>
        %add3A_407 = arith.addf %get3A_399, %mul3A_406 : vector<16xf32>
        %swap3A_408 = arith.index_cast %scan3A_326 : i32 to index
        %swap3A_409 = arith.constant 80 : index
        %swap3A_410 = tpu.vector_load %arg13[%swap3A_408, %swap3A_409] {strides = array<i32>} : memref<80x128xf32, #tpu.memory_space<vmem>>, vector<16xf32>,
        tpu.vector_store %arg13[%swap3A_408, %swap3A_409], %add3A_407 {strides = array<i32>} : memref<80x128xf32, #tpu.memory_space<vmem>>, vector<16xf32>,
        %get3A_411 = arith.index_cast %scan3A_326 : i32 to index
        %get3A_412 = arith.constant 96 : index
        %get3A_413 = tpu.vector_load %arg13[%get3A_411, %get3A_412] {strides = array<i32>} : memref<80x128xf32, #tpu.memory_space<vmem>>, vector<16xf32>,
        %get3A_414 = arith.index_cast %scan3A_326 : i32 to index
        %get3A_415 = arith.constant 96 : index
        %get3A_416 = tpu.vector_load %arg14[%get3A_414, %get3A_415] {strides = array<i32>} : memref<80x128xf32, #tpu.memory_space<vmem>>, vector<16xf32>,
        %get3A_417 = arith.index_cast %scan3A_326 : i32 to index
        %get3A_418 = arith.constant 96 : index
        %get3A_419 = tpu.vector_load %arg15[%get3A_417, %get3A_418] {strides = array<i32>} : memref<80x128xf32, #tpu.memory_space<vmem>>, vector<16xf32>,
        %mul3A_420 = arith.mulf %get3A_416, %get3A_419 : vector<16xf32>
        %add3A_421 = arith.addf %get3A_413, %mul3A_420 : vector<16xf32>
        %swap3A_422 = arith.index_cast %scan3A_326 : i32 to index
        %swap3A_423 = arith.constant 96 : index
        %swap3A_424 = tpu.vector_load %arg13[%swap3A_422, %swap3A_423] {strides = array<i32>} : memref<80x128xf32, #tpu.memory_space<vmem>>, vector<16xf32>,
        tpu.vector_store %arg13[%swap3A_422, %swap3A_423], %add3A_421 {strides = array<i32>} : memref<80x128xf32, #tpu.memory_space<vmem>>, vector<16xf32>,
        %get3A_425 = arith.index_cast %scan3A_326 : i32 to index
        %get3A_426 = arith.constant 112 : index
        %get3A_427 = tpu.vector_load %arg13[%get3A_425, %get3A_426] {strides = array<i32>} : memref<80x128xf32, #tpu.memory_space<vmem>>, vector<16xf32>,
        %get3A_428 = arith.index_cast %scan3A_326 : i32 to index
        %get3A_429 = arith.constant 112 : index
        %get3A_430 = tpu.vector_load %arg14[%get3A_428, %get3A_429] {strides = array<i32>} : memref<80x128xf32, #tpu.memory_space<vmem>>, vector<16xf32>,
        %get3A_431 = arith.index_cast %scan3A_326 : i32 to index
        %get3A_432 = arith.constant 112 : index
        %get3A_433 = tpu.vector_load %arg15[%get3A_431, %get3A_432] {strides = array<i32>} : memref<80x128xf32, #tpu.memory_space<vmem>>, vector<16xf32>,
        %mul3A_434 = arith.mulf %get3A_430, %get3A_433 : vector<16xf32>
        %add3A_435 = arith.addf %get3A_427, %mul3A_434 : vector<16xf32>
        %swap3A_436 = arith.index_cast %scan3A_326 : i32 to index
        %swap3A_437 = arith.constant 112 : index
        %swap3A_438 = tpu.vector_load %arg13[%swap3A_436, %swap3A_437] {strides = array<i32>} : memref<80x128xf32, #tpu.memory_space<vmem>>, vector<16xf32>,
        tpu.vector_store %arg13[%swap3A_436, %swap3A_437], %add3A_435 {strides = array<i32>} : memref<80x128xf32, #tpu.memory_space<vmem>>, vector<16xf32>,
      }
      %scan3A_203 = arith.constant 80 : i32
      "tpu.region"() ({
        %run_scoped3A = tpu.sem_alloc : memref<!tpu.dma_semaphore, #tpu.memory_space<semaphore_mem>>
        %dma_start3A_326 = arith.constant 0 : i32
        %dma_start3A_327 = arith.constant 0 : i32
        %dma_start3A_328 = tpu.memref_slice %arg8[%dma_start3A_326, %dma_start3A_327] : memref<10240x128xf32, #tpu.memory_space<vmem_shared>> -> memref<10240x128xf32, #tpu.memory_space<vmem_shared>>
        tpu.enqueue_indirect_dma source(%arg13 : memref<80x128xf32, #tpu.memory_space<vmem>>) target(%dma_start3A_328 : memref<10240x128xf32, #tpu.memory_space<vmem_shared>>) offsets(%arg12 : memref<80xi32, #tpu.memory_space<vmem>>) semaphore(%run_scoped3A : memref<!tpu.dma_semaphore, #tpu.memory_space<semaphore_mem>>) {add = true}
        %dma_wait3A_329 = arith.constant 0 : i32
        %dma_wait3A_330 = arith.constant 0 : i32
        %dma_wait3A_331 = tpu.memref_slice %arg8[%dma_wait3A_329, %dma_wait3A_330] : memref<10240x128xf32, #tpu.memory_space<vmem_shared>> -> memref<10240x128xf32, #tpu.memory_space<vmem_shared>>
        tpu.wait_indirect_dma semaphore(%run_scoped3A : memref<!tpu.dma_semaphore, #tpu.memory_space<semaphore_mem>>) src(%arg13 : memref<80x128xf32, #tpu.memory_space<vmem>>) dst(%dma_wait3A_331 : memref<10240x128xf32, #tpu.memory_space<vmem_shared>>)
        tpu.yield
      }) : () -> ()
      %get3A_204 = arith.constant 0 : index
      %get3A_205 = tpu.vector_load %arg12[%get3A_204] {strides = array<i32>} : memref<80xi32, #tpu.memory_space<vmem>>, vector<16xi32>,
      tpu.vector_store_idx %arg16[%get3A_205], %broadcast_in_dim3A_2 : memref<10240xf32, #tpu.memory_space<vmem>>[vector<16xi32>], vector<16xf32>,
      %get3A_206 = arith.constant 16 : index
      %get3A_207 = tpu.vector_load %arg12[%get3A_206] {strides = array<i32>} : memref<80xi32, #tpu.memory_space<vmem>>, vector<16xi32>,
      tpu.vector_store_idx %arg16[%get3A_207], %broadcast_in_dim3A_2 : memref<10240xf32, #tpu.memory_space<vmem>>[vector<16xi32>], vector<16xf32>,
      %get3A_208 = arith.constant 32 : index
      %get3A_209 = tpu.vector_load %arg12[%get3A_208] {strides = array<i32>} : memref<80xi32, #tpu.memory_space<vmem>>, vector<16xi32>,
      tpu.vector_store_idx %arg16[%get3A_209], %broadcast_in_dim3A_2 : memref<10240xf32, #tpu.memory_space<vmem>>[vector<16xi32>], vector<16xf32>,
      %get3A_210 = arith.constant 48 : index
      %get3A_211 = tpu.vector_load %arg12[%get3A_210] {strides = array<i32>} : memref<80xi32, #tpu.memory_space<vmem>>, vector<16xi32>,
      tpu.vector_store_idx %arg16[%get3A_211], %broadcast_in_dim3A_2 : memref<10240xf32, #tpu.memory_space<vmem>>[vector<16xi32>], vector<16xf32>,
      %get3A_212 = arith.constant 64 : index
      %get3A_213 = tpu.vector_load %arg12[%get3A_212] {strides = array<i32>} : memref<80xi32, #tpu.memory_space<vmem>>, vector<16xi32>,
      tpu.vector_store_idx %arg16[%get3A_213], %broadcast_in_dim3A_2 : memref<10240xf32, #tpu.memory_space<vmem>>[vector<16xi32>], vector<16xf32>,
      %dma_start3A_214 = arith.constant 1040 : i32
      %dma_start3A_215 = tpu.memref_slice %arg11[%dma_start3A_214] : memref<1600xi32, #tpu.memory_space<vmem>> -> memref<80xi32, #tpu.memory_space<vmem>>
      %dma_start3A_216 = arith.constant 0 : i32
      %dma_start3A_217 = arith.constant 0 : i32
      %dma_start3A_218 = tpu.memref_slice %arg9[%dma_start3A_216, %dma_start3A_217] : memref<200x128xf32, #tpu.memory_space<vmem_shared>> -> memref<200x128xf32, #tpu.memory_space<vmem_shared>>
      tpu.enqueue_indirect_dma source(%dma_start3A_218 : memref<200x128xf32, #tpu.memory_space<vmem_shared>>) target(%arg14 : memref<80x128xf32, #tpu.memory_space<vmem>>) offsets(%dma_start3A_215 : memref<80xi32, #tpu.memory_space<vmem>>) semaphore(%arg18 : memref<!tpu.dma_semaphore, #tpu.memory_space<semaphore_mem>>)
      %dma_start3A_219 = arith.constant 1120 : i32
      %dma_start3A_220 = tpu.memref_slice %arg11[%dma_start3A_219] : memref<1600xi32, #tpu.memory_space<vmem>> -> memref<80xi32, #tpu.memory_space<vmem>>
      %dma_start3A_221 = arith.constant 0 : i32
      %dma_start3A_222 = arith.constant 0 : i32
      %dma_start3A_223 = tpu.memref_slice %arg10[%dma_start3A_221, %dma_start3A_222] : memref<366x128xf32, #tpu.memory_space<vmem_shared>> -> memref<366x128xf32, #tpu.memory_space<vmem_shared>>
      tpu.enqueue_indirect_dma source(%dma_start3A_223 : memref<366x128xf32, #tpu.memory_space<vmem_shared>>) target(%arg15 : memref<80x128xf32, #tpu.memory_space<vmem>>) offsets(%dma_start3A_220 : memref<80xi32, #tpu.memory_space<vmem>>) semaphore(%arg19 : memref<!tpu.dma_semaphore, #tpu.memory_space<semaphore_mem>>)
      %get3A_224 = arith.constant 1200 : index
      %get3A_225 = tpu.vector_load %arg11[%get3A_224] {strides = array<i32>} : memref<1600xi32, #tpu.memory_space<vmem>>, vector<16xi32>,
      %swap3A_226 = arith.constant 0 : index
      %swap3A_227 = tpu.vector_load %arg12[%swap3A_226] {strides = array<i32>} : memref<80xi32, #tpu.memory_space<vmem>>, vector<16xi32>,
      tpu.vector_store %arg12[%swap3A_226], %get3A_225 {strides = array<i32>} : memref<80xi32, #tpu.memory_space<vmem>>, vector<16xi32>,
      %get3A_228 = arith.constant 1216 : index
      %get3A_229 = tpu.vector_load %arg11[%get3A_228] {strides = array<i32>} : memref<1600xi32, #tpu.memory_space<vmem>>, vector<16xi32>,
      %swap3A_230 = arith.constant 16 : index
      %swap3A_231 = tpu.vector_load %arg12[%swap3A_230] {strides = array<i32>} : memref<80xi32, #tpu.memory_space<vmem>>, vector<16xi32>,
      tpu.vector_store %arg12[%swap3A_230], %get3A_229 {strides = array<i32>} : memref<80xi32, #tpu.memory_space<vmem>>, vector<16xi32>,
      %get3A_232 = arith.constant 1232 : index
      %get3A_233 = tpu.vector_load %arg11[%get3A_232] {strides = array<i32>} : memref<1600xi32, #tpu.memory_space<vmem>>, vector<16xi32>,
      %swap3A_234 = arith.constant 32 : index
      %swap3A_235 = tpu.vector_load %arg12[%swap3A_234] {strides = array<i32>} : memref<80xi32, #tpu.memory_space<vmem>>, vector<16xi32>,
      tpu.vector_store %arg12[%swap3A_234], %get3A_233 {strides = array<i32>} : memref<80xi32, #tpu.memory_space<vmem>>, vector<16xi32>,
      %get3A_236 = arith.constant 1248 : index
      %get3A_237 = tpu.vector_load %arg11[%get3A_236] {strides = array<i32>} : memref<1600xi32, #tpu.memory_space<vmem>>, vector<16xi32>,
      %swap3A_238 = arith.constant 48 : index
      %swap3A_239 = tpu.vector_load %arg12[%swap3A_238] {strides = array<i32>} : memref<80xi32, #tpu.memory_space<vmem>>, vector<16xi32>,
      tpu.vector_store %arg12[%swap3A_238], %get3A_237 {strides = array<i32>} : memref<80xi32, #tpu.memory_space<vmem>>, vector<16xi32>,
      %get3A_240 = arith.constant 1264 : index
      %get3A_241 = tpu.vector_load %arg11[%get3A_240] {strides = array<i32>} : memref<1600xi32, #tpu.memory_space<vmem>>, vector<16xi32>,
      %swap3A_242 = arith.constant 64 : index
      %swap3A_243 = tpu.vector_load %arg12[%swap3A_242] {strides = array<i32>} : memref<80xi32, #tpu.memory_space<vmem>>, vector<16xi32>,
      tpu.vector_store %arg12[%swap3A_242], %get3A_241 {strides = array<i32>} : memref<80xi32, #tpu.memory_space<vmem>>, vector<16xi32>,
      %dma_wait3A_244 = arith.constant 1040 : i32
      %dma_wait3A_245 = tpu.memref_slice %arg11[%dma_wait3A_244] : memref<1600xi32, #tpu.memory_space<vmem>> -> memref<80xi32, #tpu.memory_space<vmem>>
      %dma_wait3A_246 = arith.constant 0 : i32
      %dma_wait3A_247 = arith.constant 0 : i32
      %dma_wait3A_248 = tpu.memref_slice %arg9[%dma_wait3A_246, %dma_wait3A_247] : memref<200x128xf32, #tpu.memory_space<vmem_shared>> -> memref<200x128xf32, #tpu.memory_space<vmem_shared>>
      tpu.wait_indirect_dma semaphore(%arg18 : memref<!tpu.dma_semaphore, #tpu.memory_space<semaphore_mem>>) src(%dma_wait3A_248 : memref<200x128xf32, #tpu.memory_space<vmem_shared>>) dst(%arg14 : memref<80x128xf32, #tpu.memory_space<vmem>>)
      %dma_wait3A_249 = arith.constant 1120 : i32
      %dma_wait3A_250 = tpu.memref_slice %arg11[%dma_wait3A_249] : memref<1600xi32, #tpu.memory_space<vmem>> -> memref<80xi32, #tpu.memory_space<vmem>>
      %dma_wait3A_251 = arith.constant 0 : i32
      %dma_wait3A_252 = arith.constant 0 : i32
      %dma_wait3A_253 = tpu.memref_slice %arg10[%dma_wait3A_251, %dma_wait3A_252] : memref<366x128xf32, #tpu.memory_space<vmem_shared>> -> memref<366x128xf32, #tpu.memory_space<vmem_shared>>
      tpu.wait_indirect_dma semaphore(%arg19 : memref<!tpu.dma_semaphore, #tpu.memory_space<semaphore_mem>>) src(%dma_wait3A_253 : memref<366x128xf32, #tpu.memory_space<vmem_shared>>) dst(%arg15 : memref<80x128xf32, #tpu.memory_space<vmem>>)
      %scan3A_254 = arith.constant 0 : i32
      %scan3A_255 = arith.constant 0 : i32
      %scan3A_256 = arith.constant 80 : i32
      %scan3A_257 = arith.addi %scan3A_255, %scan3A_256 : i32
      %scan3A_258 = arith.constant 1 : i32
      scf.for %scan3A_326 = %scan3A_255 to %scan3A_257 step %scan3A_258  : i32 {
        %get3A_327 = arith.index_cast %scan3A_326 : i32 to index
        %get3A_328 = arith.constant 0 : index
        %get3A_329 = tpu.vector_load %arg13[%get3A_327, %get3A_328] {strides = array<i32>} : memref<80x128xf32, #tpu.memory_space<vmem>>, vector<16xf32>,
        %get3A_330 = arith.index_cast %scan3A_326 : i32 to index
        %get3A_331 = arith.constant 0 : index
        %get3A_332 = tpu.vector_load %arg14[%get3A_330, %get3A_331] {strides = array<i32>} : memref<80x128xf32, #tpu.memory_space<vmem>>, vector<16xf32>,
        %get3A_333 = arith.index_cast %scan3A_326 : i32 to index
        %get3A_334 = arith.constant 0 : index
        %get3A_335 = tpu.vector_load %arg15[%get3A_333, %get3A_334] {strides = array<i32>} : memref<80x128xf32, #tpu.memory_space<vmem>>, vector<16xf32>,
        %mul3A_336 = arith.mulf %get3A_332, %get3A_335 : vector<16xf32>
        %add3A_337 = arith.addf %get3A_329, %mul3A_336 : vector<16xf32>
        %swap3A_338 = arith.index_cast %scan3A_326 : i32 to index
        %swap3A_339 = arith.constant 0 : index
        %swap3A_340 = tpu.vector_load %arg13[%swap3A_338, %swap3A_339] {strides = array<i32>} : memref<80x128xf32, #tpu.memory_space<vmem>>, vector<16xf32>,
        tpu.vector_store %arg13[%swap3A_338, %swap3A_339], %add3A_337 {strides = array<i32>} : memref<80x128xf32, #tpu.memory_space<vmem>>, vector<16xf32>,
        %get3A_341 = arith.index_cast %scan3A_326 : i32 to index
        %get3A_342 = arith.constant 16 : index
        %get3A_343 = tpu.vector_load %arg13[%get3A_341, %get3A_342] {strides = array<i32>} : memref<80x128xf32, #tpu.memory_space<vmem>>, vector<16xf32>,
        %get3A_344 = arith.index_cast %scan3A_326 : i32 to index
        %get3A_345 = arith.constant 16 : index
        %get3A_346 = tpu.vector_load %arg14[%get3A_344, %get3A_345] {strides = array<i32>} : memref<80x128xf32, #tpu.memory_space<vmem>>, vector<16xf32>,
        %get3A_347 = arith.index_cast %scan3A_326 : i32 to index
        %get3A_348 = arith.constant 16 : index
        %get3A_349 = tpu.vector_load %arg15[%get3A_347, %get3A_348] {strides = array<i32>} : memref<80x128xf32, #tpu.memory_space<vmem>>, vector<16xf32>,
        %mul3A_350 = arith.mulf %get3A_346, %get3A_349 : vector<16xf32>
        %add3A_351 = arith.addf %get3A_343, %mul3A_350 : vector<16xf32>
        %swap3A_352 = arith.index_cast %scan3A_326 : i32 to index
        %swap3A_353 = arith.constant 16 : index
        %swap3A_354 = tpu.vector_load %arg13[%swap3A_352, %swap3A_353] {strides = array<i32>} : memref<80x128xf32, #tpu.memory_space<vmem>>, vector<16xf32>,
        tpu.vector_store %arg13[%swap3A_352, %swap3A_353], %add3A_351 {strides = array<i32>} : memref<80x128xf32, #tpu.memory_space<vmem>>, vector<16xf32>,
        %get3A_355 = arith.index_cast %scan3A_326 : i32 to index
        %get3A_356 = arith.constant 32 : index
        %get3A_357 = tpu.vector_load %arg13[%get3A_355, %get3A_356] {strides = array<i32>} : memref<80x128xf32, #tpu.memory_space<vmem>>, vector<16xf32>,
        %get3A_358 = arith.index_cast %scan3A_326 : i32 to index
        %get3A_359 = arith.constant 32 : index
        %get3A_360 = tpu.vector_load %arg14[%get3A_358, %get3A_359] {strides = array<i32>} : memref<80x128xf32, #tpu.memory_space<vmem>>, vector<16xf32>,
        %get3A_361 = arith.index_cast %scan3A_326 : i32 to index
        %get3A_362 = arith.constant 32 : index
        %get3A_363 = tpu.vector_load %arg15[%get3A_361, %get3A_362] {strides = array<i32>} : memref<80x128xf32, #tpu.memory_space<vmem>>, vector<16xf32>,
        %mul3A_364 = arith.mulf %get3A_360, %get3A_363 : vector<16xf32>
        %add3A_365 = arith.addf %get3A_357, %mul3A_364 : vector<16xf32>
        %swap3A_366 = arith.index_cast %scan3A_326 : i32 to index
        %swap3A_367 = arith.constant 32 : index
        %swap3A_368 = tpu.vector_load %arg13[%swap3A_366, %swap3A_367] {strides = array<i32>} : memref<80x128xf32, #tpu.memory_space<vmem>>, vector<16xf32>,
        tpu.vector_store %arg13[%swap3A_366, %swap3A_367], %add3A_365 {strides = array<i32>} : memref<80x128xf32, #tpu.memory_space<vmem>>, vector<16xf32>,
        %get3A_369 = arith.index_cast %scan3A_326 : i32 to index
        %get3A_370 = arith.constant 48 : index
        %get3A_371 = tpu.vector_load %arg13[%get3A_369, %get3A_370] {strides = array<i32>} : memref<80x128xf32, #tpu.memory_space<vmem>>, vector<16xf32>,
        %get3A_372 = arith.index_cast %scan3A_326 : i32 to index
        %get3A_373 = arith.constant 48 : index
        %get3A_374 = tpu.vector_load %arg14[%get3A_372, %get3A_373] {strides = array<i32>} : memref<80x128xf32, #tpu.memory_space<vmem>>, vector<16xf32>,
        %get3A_375 = arith.index_cast %scan3A_326 : i32 to index
        %get3A_376 = arith.constant 48 : index
        %get3A_377 = tpu.vector_load %arg15[%get3A_375, %get3A_376] {strides = array<i32>} : memref<80x128xf32, #tpu.memory_space<vmem>>, vector<16xf32>,
        %mul3A_378 = arith.mulf %get3A_374, %get3A_377 : vector<16xf32>
        %add3A_379 = arith.addf %get3A_371, %mul3A_378 : vector<16xf32>
        %swap3A_380 = arith.index_cast %scan3A_326 : i32 to index
        %swap3A_381 = arith.constant 48 : index
        %swap3A_382 = tpu.vector_load %arg13[%swap3A_380, %swap3A_381] {strides = array<i32>} : memref<80x128xf32, #tpu.memory_space<vmem>>, vector<16xf32>,
        tpu.vector_store %arg13[%swap3A_380, %swap3A_381], %add3A_379 {strides = array<i32>} : memref<80x128xf32, #tpu.memory_space<vmem>>, vector<16xf32>,
        %get3A_383 = arith.index_cast %scan3A_326 : i32 to index
        %get3A_384 = arith.constant 64 : index
        %get3A_385 = tpu.vector_load %arg13[%get3A_383, %get3A_384] {strides = array<i32>} : memref<80x128xf32, #tpu.memory_space<vmem>>, vector<16xf32>,
        %get3A_386 = arith.index_cast %scan3A_326 : i32 to index
        %get3A_387 = arith.constant 64 : index
        %get3A_388 = tpu.vector_load %arg14[%get3A_386, %get3A_387] {strides = array<i32>} : memref<80x128xf32, #tpu.memory_space<vmem>>, vector<16xf32>,
        %get3A_389 = arith.index_cast %scan3A_326 : i32 to index
        %get3A_390 = arith.constant 64 : index
        %get3A_391 = tpu.vector_load %arg15[%get3A_389, %get3A_390] {strides = array<i32>} : memref<80x128xf32, #tpu.memory_space<vmem>>, vector<16xf32>,
        %mul3A_392 = arith.mulf %get3A_388, %get3A_391 : vector<16xf32>
        %add3A_393 = arith.addf %get3A_385, %mul3A_392 : vector<16xf32>
        %swap3A_394 = arith.index_cast %scan3A_326 : i32 to index
        %swap3A_395 = arith.constant 64 : index
        %swap3A_396 = tpu.vector_load %arg13[%swap3A_394, %swap3A_395] {strides = array<i32>} : memref<80x128xf32, #tpu.memory_space<vmem>>, vector<16xf32>,
        tpu.vector_store %arg13[%swap3A_394, %swap3A_395], %add3A_393 {strides = array<i32>} : memref<80x128xf32, #tpu.memory_space<vmem>>, vector<16xf32>,
        %get3A_397 = arith.index_cast %scan3A_326 : i32 to index
        %get3A_398 = arith.constant 80 : index
        %get3A_399 = tpu.vector_load %arg13[%get3A_397, %get3A_398] {strides = array<i32>} : memref<80x128xf32, #tpu.memory_space<vmem>>, vector<16xf32>,
        %get3A_400 = arith.index_cast %scan3A_326 : i32 to index
        %get3A_401 = arith.constant 80 : index
        %get3A_402 = tpu.vector_load %arg14[%get3A_400, %get3A_401] {strides = array<i32>} : memref<80x128xf32, #tpu.memory_space<vmem>>, vector<16xf32>,
        %get3A_403 = arith.index_cast %scan3A_326 : i32 to index
        %get3A_404 = arith.constant 80 : index
        %get3A_405 = tpu.vector_load %arg15[%get3A_403, %get3A_404] {strides = array<i32>} : memref<80x128xf32, #tpu.memory_space<vmem>>, vector<16xf32>,
        %mul3A_406 = arith.mulf %get3A_402, %get3A_405 : vector<16xf32>
        %add3A_407 = arith.addf %get3A_399, %mul3A_406 : vector<16xf32>
        %swap3A_408 = arith.index_cast %scan3A_326 : i32 to index
        %swap3A_409 = arith.constant 80 : index
        %swap3A_410 = tpu.vector_load %arg13[%swap3A_408, %swap3A_409] {strides = array<i32>} : memref<80x128xf32, #tpu.memory_space<vmem>>, vector<16xf32>,
        tpu.vector_store %arg13[%swap3A_408, %swap3A_409], %add3A_407 {strides = array<i32>} : memref<80x128xf32, #tpu.memory_space<vmem>>, vector<16xf32>,
        %get3A_411 = arith.index_cast %scan3A_326 : i32 to index
        %get3A_412 = arith.constant 96 : index
        %get3A_413 = tpu.vector_load %arg13[%get3A_411, %get3A_412] {strides = array<i32>} : memref<80x128xf32, #tpu.memory_space<vmem>>, vector<16xf32>,
        %get3A_414 = arith.index_cast %scan3A_326 : i32 to index
        %get3A_415 = arith.constant 96 : index
        %get3A_416 = tpu.vector_load %arg14[%get3A_414, %get3A_415] {strides = array<i32>} : memref<80x128xf32, #tpu.memory_space<vmem>>, vector<16xf32>,
        %get3A_417 = arith.index_cast %scan3A_326 : i32 to index
        %get3A_418 = arith.constant 96 : index
        %get3A_419 = tpu.vector_load %arg15[%get3A_417, %get3A_418] {strides = array<i32>} : memref<80x128xf32, #tpu.memory_space<vmem>>, vector<16xf32>,
        %mul3A_420 = arith.mulf %get3A_416, %get3A_419 : vector<16xf32>
        %add3A_421 = arith.addf %get3A_413, %mul3A_420 : vector<16xf32>
        %swap3A_422 = arith.index_cast %scan3A_326 : i32 to index
        %swap3A_423 = arith.constant 96 : index
        %swap3A_424 = tpu.vector_load %arg13[%swap3A_422, %swap3A_423] {strides = array<i32>} : memref<80x128xf32, #tpu.memory_space<vmem>>, vector<16xf32>,
        tpu.vector_store %arg13[%swap3A_422, %swap3A_423], %add3A_421 {strides = array<i32>} : memref<80x128xf32, #tpu.memory_space<vmem>>, vector<16xf32>,
        %get3A_425 = arith.index_cast %scan3A_326 : i32 to index
        %get3A_426 = arith.constant 112 : index
        %get3A_427 = tpu.vector_load %arg13[%get3A_425, %get3A_426] {strides = array<i32>} : memref<80x128xf32, #tpu.memory_space<vmem>>, vector<16xf32>,
        %get3A_428 = arith.index_cast %scan3A_326 : i32 to index
        %get3A_429 = arith.constant 112 : index
        %get3A_430 = tpu.vector_load %arg14[%get3A_428, %get3A_429] {strides = array<i32>} : memref<80x128xf32, #tpu.memory_space<vmem>>, vector<16xf32>,
        %get3A_431 = arith.index_cast %scan3A_326 : i32 to index
        %get3A_432 = arith.constant 112 : index
        %get3A_433 = tpu.vector_load %arg15[%get3A_431, %get3A_432] {strides = array<i32>} : memref<80x128xf32, #tpu.memory_space<vmem>>, vector<16xf32>,
        %mul3A_434 = arith.mulf %get3A_430, %get3A_433 : vector<16xf32>
        %add3A_435 = arith.addf %get3A_427, %mul3A_434 : vector<16xf32>
        %swap3A_436 = arith.index_cast %scan3A_326 : i32 to index
        %swap3A_437 = arith.constant 112 : index
        %swap3A_438 = tpu.vector_load %arg13[%swap3A_436, %swap3A_437] {strides = array<i32>} : memref<80x128xf32, #tpu.memory_space<vmem>>, vector<16xf32>,
        tpu.vector_store %arg13[%swap3A_436, %swap3A_437], %add3A_435 {strides = array<i32>} : memref<80x128xf32, #tpu.memory_space<vmem>>, vector<16xf32>,
      }
      %scan3A_259 = arith.constant 80 : i32
      "tpu.region"() ({
        %run_scoped3A = tpu.sem_alloc : memref<!tpu.dma_semaphore, #tpu.memory_space<semaphore_mem>>
        %dma_start3A_326 = arith.constant 0 : i32
        %dma_start3A_327 = arith.constant 0 : i32
        %dma_start3A_328 = tpu.memref_slice %arg8[%dma_start3A_326, %dma_start3A_327] : memref<10240x128xf32, #tpu.memory_space<vmem_shared>> -> memref<10240x128xf32, #tpu.memory_space<vmem_shared>>
        tpu.enqueue_indirect_dma source(%arg13 : memref<80x128xf32, #tpu.memory_space<vmem>>) target(%dma_start3A_328 : memref<10240x128xf32, #tpu.memory_space<vmem_shared>>) offsets(%arg12 : memref<80xi32, #tpu.memory_space<vmem>>) semaphore(%run_scoped3A : memref<!tpu.dma_semaphore, #tpu.memory_space<semaphore_mem>>) {add = true}
        %dma_wait3A_329 = arith.constant 0 : i32
        %dma_wait3A_330 = arith.constant 0 : i32
        %dma_wait3A_331 = tpu.memref_slice %arg8[%dma_wait3A_329, %dma_wait3A_330] : memref<10240x128xf32, #tpu.memory_space<vmem_shared>> -> memref<10240x128xf32, #tpu.memory_space<vmem_shared>>
        tpu.wait_indirect_dma semaphore(%run_scoped3A : memref<!tpu.dma_semaphore, #tpu.memory_space<semaphore_mem>>) src(%arg13 : memref<80x128xf32, #tpu.memory_space<vmem>>) dst(%dma_wait3A_331 : memref<10240x128xf32, #tpu.memory_space<vmem_shared>>)
        tpu.yield
      }) : () -> ()
      %get3A_260 = arith.constant 0 : index
      %get3A_261 = tpu.vector_load %arg12[%get3A_260] {strides = array<i32>} : memref<80xi32, #tpu.memory_space<vmem>>, vector<16xi32>,
      tpu.vector_store_idx %arg16[%get3A_261], %broadcast_in_dim3A_2 : memref<10240xf32, #tpu.memory_space<vmem>>[vector<16xi32>], vector<16xf32>,
      %get3A_262 = arith.constant 16 : index
      %get3A_263 = tpu.vector_load %arg12[%get3A_262] {strides = array<i32>} : memref<80xi32, #tpu.memory_space<vmem>>, vector<16xi32>,
      tpu.vector_store_idx %arg16[%get3A_263], %broadcast_in_dim3A_2 : memref<10240xf32, #tpu.memory_space<vmem>>[vector<16xi32>], vector<16xf32>,
      %get3A_264 = arith.constant 32 : index
      %get3A_265 = tpu.vector_load %arg12[%get3A_264] {strides = array<i32>} : memref<80xi32, #tpu.memory_space<vmem>>, vector<16xi32>,
      tpu.vector_store_idx %arg16[%get3A_265], %broadcast_in_dim3A_2 : memref<10240xf32, #tpu.memory_space<vmem>>[vector<16xi32>], vector<16xf32>,
      %get3A_266 = arith.constant 48 : index
      %get3A_267 = tpu.vector_load %arg12[%get3A_266] {strides = array<i32>} : memref<80xi32, #tpu.memory_space<vmem>>, vector<16xi32>,
      tpu.vector_store_idx %arg16[%get3A_267], %broadcast_in_dim3A_2 : memref<10240xf32, #tpu.memory_space<vmem>>[vector<16xi32>], vector<16xf32>,
      %get3A_268 = arith.constant 64 : index
      %get3A_269 = tpu.vector_load %arg12[%get3A_268] {strides = array<i32>} : memref<80xi32, #tpu.memory_space<vmem>>, vector<16xi32>,
      tpu.vector_store_idx %arg16[%get3A_269], %broadcast_in_dim3A_2 : memref<10240xf32, #tpu.memory_space<vmem>>[vector<16xi32>], vector<16xf32>,
      %dma_start3A_270 = arith.constant 1360 : i32
      %dma_start3A_271 = tpu.memref_slice %arg11[%dma_start3A_270] : memref<1600xi32, #tpu.memory_space<vmem>> -> memref<80xi32, #tpu.memory_space<vmem>>
      %dma_start3A_272 = arith.constant 0 : i32
      %dma_start3A_273 = arith.constant 0 : i32
      %dma_start3A_274 = tpu.memref_slice %arg9[%dma_start3A_272, %dma_start3A_273] : memref<200x128xf32, #tpu.memory_space<vmem_shared>> -> memref<200x128xf32, #tpu.memory_space<vmem_shared>>
      tpu.enqueue_indirect_dma source(%dma_start3A_274 : memref<200x128xf32, #tpu.memory_space<vmem_shared>>) target(%arg14 : memref<80x128xf32, #tpu.memory_space<vmem>>) offsets(%dma_start3A_271 : memref<80xi32, #tpu.memory_space<vmem>>) semaphore(%arg18 : memref<!tpu.dma_semaphore, #tpu.memory_space<semaphore_mem>>)
      %dma_start3A_275 = arith.constant 1440 : i32
      %dma_start3A_276 = tpu.memref_slice %arg11[%dma_start3A_275] : memref<1600xi32, #tpu.memory_space<vmem>> -> memref<80xi32, #tpu.memory_space<vmem>>
      %dma_start3A_277 = arith.constant 0 : i32
      %dma_start3A_278 = arith.constant 0 : i32
      %dma_start3A_279 = tpu.memref_slice %arg10[%dma_start3A_277, %dma_start3A_278] : memref<366x128xf32, #tpu.memory_space<vmem_shared>> -> memref<366x128xf32, #tpu.memory_space<vmem_shared>>
      tpu.enqueue_indirect_dma source(%dma_start3A_279 : memref<366x128xf32, #tpu.memory_space<vmem_shared>>) target(%arg15 : memref<80x128xf32, #tpu.memory_space<vmem>>) offsets(%dma_start3A_276 : memref<80xi32, #tpu.memory_space<vmem>>) semaphore(%arg19 : memref<!tpu.dma_semaphore, #tpu.memory_space<semaphore_mem>>)
      %get3A_280 = arith.constant 1520 : index
      %get3A_281 = tpu.vector_load %arg11[%get3A_280] {strides = array<i32>} : memref<1600xi32, #tpu.memory_space<vmem>>, vector<16xi32>,
      %swap3A_282 = arith.constant 0 : index
      %swap3A_283 = tpu.vector_load %arg12[%swap3A_282] {strides = array<i32>} : memref<80xi32, #tpu.memory_space<vmem>>, vector<16xi32>,
      tpu.vector_store %arg12[%swap3A_282], %get3A_281 {strides = array<i32>} : memref<80xi32, #tpu.memory_space<vmem>>, vector<16xi32>,
      %get3A_284 = arith.constant 1536 : index
      %get3A_285 = tpu.vector_load %arg11[%get3A_284] {strides = array<i32>} : memref<1600xi32, #tpu.memory_space<vmem>>, vector<16xi32>,
      %swap3A_286 = arith.constant 16 : index
      %swap3A_287 = tpu.vector_load %arg12[%swap3A_286] {strides = array<i32>} : memref<80xi32, #tpu.memory_space<vmem>>, vector<16xi32>,
      tpu.vector_store %arg12[%swap3A_286], %get3A_285 {strides = array<i32>} : memref<80xi32, #tpu.memory_space<vmem>>, vector<16xi32>,
      %get3A_288 = arith.constant 1552 : index
      %get3A_289 = tpu.vector_load %arg11[%get3A_288] {strides = array<i32>} : memref<1600xi32, #tpu.memory_space<vmem>>, vector<16xi32>,
      %swap3A_290 = arith.constant 32 : index
      %swap3A_291 = tpu.vector_load %arg12[%swap3A_290] {strides = array<i32>} : memref<80xi32, #tpu.memory_space<vmem>>, vector<16xi32>,
      tpu.vector_store %arg12[%swap3A_290], %get3A_289 {strides = array<i32>} : memref<80xi32, #tpu.memory_space<vmem>>, vector<16xi32>,
      %get3A_292 = arith.constant 1568 : index
      %get3A_293 = tpu.vector_load %arg11[%get3A_292] {strides = array<i32>} : memref<1600xi32, #tpu.memory_space<vmem>>, vector<16xi32>,
      %swap3A_294 = arith.constant 48 : index
      %swap3A_295 = tpu.vector_load %arg12[%swap3A_294] {strides = array<i32>} : memref<80xi32, #tpu.memory_space<vmem>>, vector<16xi32>,
      tpu.vector_store %arg12[%swap3A_294], %get3A_293 {strides = array<i32>} : memref<80xi32, #tpu.memory_space<vmem>>, vector<16xi32>,
      %get3A_296 = arith.constant 1584 : index
      %get3A_297 = tpu.vector_load %arg11[%get3A_296] {strides = array<i32>} : memref<1600xi32, #tpu.memory_space<vmem>>, vector<16xi32>,
      %swap3A_298 = arith.constant 64 : index
      %swap3A_299 = tpu.vector_load %arg12[%swap3A_298] {strides = array<i32>} : memref<80xi32, #tpu.memory_space<vmem>>, vector<16xi32>,
      tpu.vector_store %arg12[%swap3A_298], %get3A_297 {strides = array<i32>} : memref<80xi32, #tpu.memory_space<vmem>>, vector<16xi32>,
      %dma_wait3A_300 = arith.constant 1360 : i32
      %dma_wait3A_301 = tpu.memref_slice %arg11[%dma_wait3A_300] : memref<1600xi32, #tpu.memory_space<vmem>> -> memref<80xi32, #tpu.memory_space<vmem>>
      %dma_wait3A_302 = arith.constant 0 : i32
      %dma_wait3A_303 = arith.constant 0 : i32
      %dma_wait3A_304 = tpu.memref_slice %arg9[%dma_wait3A_302, %dma_wait3A_303] : memref<200x128xf32, #tpu.memory_space<vmem_shared>> -> memref<200x128xf32, #tpu.memory_space<vmem_shared>>
      tpu.wait_indirect_dma semaphore(%arg18 : memref<!tpu.dma_semaphore, #tpu.memory_space<semaphore_mem>>) src(%dma_wait3A_304 : memref<200x128xf32, #tpu.memory_space<vmem_shared>>) dst(%arg14 : memref<80x128xf32, #tpu.memory_space<vmem>>)
      %dma_wait3A_305 = arith.constant 1440 : i32
      %dma_wait3A_306 = tpu.memref_slice %arg11[%dma_wait3A_305] : memref<1600xi32, #tpu.memory_space<vmem>> -> memref<80xi32, #tpu.memory_space<vmem>>
      %dma_wait3A_307 = arith.constant 0 : i32
      %dma_wait3A_308 = arith.constant 0 : i32
      %dma_wait3A_309 = tpu.memref_slice %arg10[%dma_wait3A_307, %dma_wait3A_308] : memref<366x128xf32, #tpu.memory_space<vmem_shared>> -> memref<366x128xf32, #tpu.memory_space<vmem_shared>>
      tpu.wait_indirect_dma semaphore(%arg19 : memref<!tpu.dma_semaphore, #tpu.memory_space<semaphore_mem>>) src(%dma_wait3A_309 : memref<366x128xf32, #tpu.memory_space<vmem_shared>>) dst(%arg15 : memref<80x128xf32, #tpu.memory_space<vmem>>)
      %scan3A_310 = arith.constant 0 : i32
      %scan3A_311 = arith.constant 0 : i32
      %scan3A_312 = arith.constant 80 : i32
      %scan3A_313 = arith.addi %scan3A_311, %scan3A_312 : i32
      %scan3A_314 = arith.constant 1 : i32
      scf.for %scan3A_326 = %scan3A_311 to %scan3A_313 step %scan3A_314  : i32 {
        %get3A_327 = arith.index_cast %scan3A_326 : i32 to index
        %get3A_328 = arith.constant 0 : index
        %get3A_329 = tpu.vector_load %arg13[%get3A_327, %get3A_328] {strides = array<i32>} : memref<80x128xf32, #tpu.memory_space<vmem>>, vector<16xf32>,
        %get3A_330 = arith.index_cast %scan3A_326 : i32 to index
        %get3A_331 = arith.constant 0 : index
        %get3A_332 = tpu.vector_load %arg14[%get3A_330, %get3A_331] {strides = array<i32>} : memref<80x128xf32, #tpu.memory_space<vmem>>, vector<16xf32>,
        %get3A_333 = arith.index_cast %scan3A_326 : i32 to index
        %get3A_334 = arith.constant 0 : index
        %get3A_335 = tpu.vector_load %arg15[%get3A_333, %get3A_334] {strides = array<i32>} : memref<80x128xf32, #tpu.memory_space<vmem>>, vector<16xf32>,
        %mul3A_336 = arith.mulf %get3A_332, %get3A_335 : vector<16xf32>
        %add3A_337 = arith.addf %get3A_329, %mul3A_336 : vector<16xf32>
        %swap3A_338 = arith.index_cast %scan3A_326 : i32 to index
        %swap3A_339 = arith.constant 0 : index
        %swap3A_340 = tpu.vector_load %arg13[%swap3A_338, %swap3A_339] {strides = array<i32>} : memref<80x128xf32, #tpu.memory_space<vmem>>, vector<16xf32>,
        tpu.vector_store %arg13[%swap3A_338, %swap3A_339], %add3A_337 {strides = array<i32>} : memref<80x128xf32, #tpu.memory_space<vmem>>, vector<16xf32>,
        %get3A_341 = arith.index_cast %scan3A_326 : i32 to index
        %get3A_342 = arith.constant 16 : index
        %get3A_343 = tpu.vector_load %arg13[%get3A_341, %get3A_342] {strides = array<i32>} : memref<80x128xf32, #tpu.memory_space<vmem>>, vector<16xf32>,
        %get3A_344 = arith.index_cast %scan3A_326 : i32 to index
        %get3A_345 = arith.constant 16 : index
        %get3A_346 = tpu.vector_load %arg14[%get3A_344, %get3A_345] {strides = array<i32>} : memref<80x128xf32, #tpu.memory_space<vmem>>, vector<16xf32>,
        %get3A_347 = arith.index_cast %scan3A_326 : i32 to index
        %get3A_348 = arith.constant 16 : index
        %get3A_349 = tpu.vector_load %arg15[%get3A_347, %get3A_348] {strides = array<i32>} : memref<80x128xf32, #tpu.memory_space<vmem>>, vector<16xf32>,
        %mul3A_350 = arith.mulf %get3A_346, %get3A_349 : vector<16xf32>
        %add3A_351 = arith.addf %get3A_343, %mul3A_350 : vector<16xf32>
        %swap3A_352 = arith.index_cast %scan3A_326 : i32 to index
        %swap3A_353 = arith.constant 16 : index
        %swap3A_354 = tpu.vector_load %arg13[%swap3A_352, %swap3A_353] {strides = array<i32>} : memref<80x128xf32, #tpu.memory_space<vmem>>, vector<16xf32>,
        tpu.vector_store %arg13[%swap3A_352, %swap3A_353], %add3A_351 {strides = array<i32>} : memref<80x128xf32, #tpu.memory_space<vmem>>, vector<16xf32>,
        %get3A_355 = arith.index_cast %scan3A_326 : i32 to index
        %get3A_356 = arith.constant 32 : index
        %get3A_357 = tpu.vector_load %arg13[%get3A_355, %get3A_356] {strides = array<i32>} : memref<80x128xf32, #tpu.memory_space<vmem>>, vector<16xf32>,
        %get3A_358 = arith.index_cast %scan3A_326 : i32 to index
        %get3A_359 = arith.constant 32 : index
        %get3A_360 = tpu.vector_load %arg14[%get3A_358, %get3A_359] {strides = array<i32>} : memref<80x128xf32, #tpu.memory_space<vmem>>, vector<16xf32>,
        %get3A_361 = arith.index_cast %scan3A_326 : i32 to index
        %get3A_362 = arith.constant 32 : index
        %get3A_363 = tpu.vector_load %arg15[%get3A_361, %get3A_362] {strides = array<i32>} : memref<80x128xf32, #tpu.memory_space<vmem>>, vector<16xf32>,
        %mul3A_364 = arith.mulf %get3A_360, %get3A_363 : vector<16xf32>
        %add3A_365 = arith.addf %get3A_357, %mul3A_364 : vector<16xf32>
        %swap3A_366 = arith.index_cast %scan3A_326 : i32 to index
        %swap3A_367 = arith.constant 32 : index
        %swap3A_368 = tpu.vector_load %arg13[%swap3A_366, %swap3A_367] {strides = array<i32>} : memref<80x128xf32, #tpu.memory_space<vmem>>, vector<16xf32>,
        tpu.vector_store %arg13[%swap3A_366, %swap3A_367], %add3A_365 {strides = array<i32>} : memref<80x128xf32, #tpu.memory_space<vmem>>, vector<16xf32>,
        %get3A_369 = arith.index_cast %scan3A_326 : i32 to index
        %get3A_370 = arith.constant 48 : index
        %get3A_371 = tpu.vector_load %arg13[%get3A_369, %get3A_370] {strides = array<i32>} : memref<80x128xf32, #tpu.memory_space<vmem>>, vector<16xf32>,
        %get3A_372 = arith.index_cast %scan3A_326 : i32 to index
        %get3A_373 = arith.constant 48 : index
        %get3A_374 = tpu.vector_load %arg14[%get3A_372, %get3A_373] {strides = array<i32>} : memref<80x128xf32, #tpu.memory_space<vmem>>, vector<16xf32>,
        %get3A_375 = arith.index_cast %scan3A_326 : i32 to index
        %get3A_376 = arith.constant 48 : index
        %get3A_377 = tpu.vector_load %arg15[%get3A_375, %get3A_376] {strides = array<i32>} : memref<80x128xf32, #tpu.memory_space<vmem>>, vector<16xf32>,
        %mul3A_378 = arith.mulf %get3A_374, %get3A_377 : vector<16xf32>
        %add3A_379 = arith.addf %get3A_371, %mul3A_378 : vector<16xf32>
        %swap3A_380 = arith.index_cast %scan3A_326 : i32 to index
        %swap3A_381 = arith.constant 48 : index
        %swap3A_382 = tpu.vector_load %arg13[%swap3A_380, %swap3A_381] {strides = array<i32>} : memref<80x128xf32, #tpu.memory_space<vmem>>, vector<16xf32>,
        tpu.vector_store %arg13[%swap3A_380, %swap3A_381], %add3A_379 {strides = array<i32>} : memref<80x128xf32, #tpu.memory_space<vmem>>, vector<16xf32>,
        %get3A_383 = arith.index_cast %scan3A_326 : i32 to index
        %get3A_384 = arith.constant 64 : index
        %get3A_385 = tpu.vector_load %arg13[%get3A_383, %get3A_384] {strides = array<i32>} : memref<80x128xf32, #tpu.memory_space<vmem>>, vector<16xf32>,
        %get3A_386 = arith.index_cast %scan3A_326 : i32 to index
        %get3A_387 = arith.constant 64 : index
        %get3A_388 = tpu.vector_load %arg14[%get3A_386, %get3A_387] {strides = array<i32>} : memref<80x128xf32, #tpu.memory_space<vmem>>, vector<16xf32>,
        %get3A_389 = arith.index_cast %scan3A_326 : i32 to index
        %get3A_390 = arith.constant 64 : index
        %get3A_391 = tpu.vector_load %arg15[%get3A_389, %get3A_390] {strides = array<i32>} : memref<80x128xf32, #tpu.memory_space<vmem>>, vector<16xf32>,
        %mul3A_392 = arith.mulf %get3A_388, %get3A_391 : vector<16xf32>
        %add3A_393 = arith.addf %get3A_385, %mul3A_392 : vector<16xf32>
        %swap3A_394 = arith.index_cast %scan3A_326 : i32 to index
        %swap3A_395 = arith.constant 64 : index
        %swap3A_396 = tpu.vector_load %arg13[%swap3A_394, %swap3A_395] {strides = array<i32>} : memref<80x128xf32, #tpu.memory_space<vmem>>, vector<16xf32>,
        tpu.vector_store %arg13[%swap3A_394, %swap3A_395], %add3A_393 {strides = array<i32>} : memref<80x128xf32, #tpu.memory_space<vmem>>, vector<16xf32>,
        %get3A_397 = arith.index_cast %scan3A_326 : i32 to index
        %get3A_398 = arith.constant 80 : index
        %get3A_399 = tpu.vector_load %arg13[%get3A_397, %get3A_398] {strides = array<i32>} : memref<80x128xf32, #tpu.memory_space<vmem>>, vector<16xf32>,
        %get3A_400 = arith.index_cast %scan3A_326 : i32 to index
        %get3A_401 = arith.constant 80 : index
        %get3A_402 = tpu.vector_load %arg14[%get3A_400, %get3A_401] {strides = array<i32>} : memref<80x128xf32, #tpu.memory_space<vmem>>, vector<16xf32>,
        %get3A_403 = arith.index_cast %scan3A_326 : i32 to index
        %get3A_404 = arith.constant 80 : index
        %get3A_405 = tpu.vector_load %arg15[%get3A_403, %get3A_404] {strides = array<i32>} : memref<80x128xf32, #tpu.memory_space<vmem>>, vector<16xf32>,
        %mul3A_406 = arith.mulf %get3A_402, %get3A_405 : vector<16xf32>
        %add3A_407 = arith.addf %get3A_399, %mul3A_406 : vector<16xf32>
        %swap3A_408 = arith.index_cast %scan3A_326 : i32 to index
        %swap3A_409 = arith.constant 80 : index
        %swap3A_410 = tpu.vector_load %arg13[%swap3A_408, %swap3A_409] {strides = array<i32>} : memref<80x128xf32, #tpu.memory_space<vmem>>, vector<16xf32>,
        tpu.vector_store %arg13[%swap3A_408, %swap3A_409], %add3A_407 {strides = array<i32>} : memref<80x128xf32, #tpu.memory_space<vmem>>, vector<16xf32>,
        %get3A_411 = arith.index_cast %scan3A_326 : i32 to index
        %get3A_412 = arith.constant 96 : index
        %get3A_413 = tpu.vector_load %arg13[%get3A_411, %get3A_412] {strides = array<i32>} : memref<80x128xf32, #tpu.memory_space<vmem>>, vector<16xf32>,
        %get3A_414 = arith.index_cast %scan3A_326 : i32 to index
        %get3A_415 = arith.constant 96 : index
        %get3A_416 = tpu.vector_load %arg14[%get3A_414, %get3A_415] {strides = array<i32>} : memref<80x128xf32, #tpu.memory_space<vmem>>, vector<16xf32>,
        %get3A_417 = arith.index_cast %scan3A_326 : i32 to index
        %get3A_418 = arith.constant 96 : index
        %get3A_419 = tpu.vector_load %arg15[%get3A_417, %get3A_418] {strides = array<i32>} : memref<80x128xf32, #tpu.memory_space<vmem>>, vector<16xf32>,
        %mul3A_420 = arith.mulf %get3A_416, %get3A_419 : vector<16xf32>
        %add3A_421 = arith.addf %get3A_413, %mul3A_420 : vector<16xf32>
        %swap3A_422 = arith.index_cast %scan3A_326 : i32 to index
        %swap3A_423 = arith.constant 96 : index
        %swap3A_424 = tpu.vector_load %arg13[%swap3A_422, %swap3A_423] {strides = array<i32>} : memref<80x128xf32, #tpu.memory_space<vmem>>, vector<16xf32>,
        tpu.vector_store %arg13[%swap3A_422, %swap3A_423], %add3A_421 {strides = array<i32>} : memref<80x128xf32, #tpu.memory_space<vmem>>, vector<16xf32>,
        %get3A_425 = arith.index_cast %scan3A_326 : i32 to index
        %get3A_426 = arith.constant 112 : index
        %get3A_427 = tpu.vector_load %arg13[%get3A_425, %get3A_426] {strides = array<i32>} : memref<80x128xf32, #tpu.memory_space<vmem>>, vector<16xf32>,
        %get3A_428 = arith.index_cast %scan3A_326 : i32 to index
        %get3A_429 = arith.constant 112 : index
        %get3A_430 = tpu.vector_load %arg14[%get3A_428, %get3A_429] {strides = array<i32>} : memref<80x128xf32, #tpu.memory_space<vmem>>, vector<16xf32>,
        %get3A_431 = arith.index_cast %scan3A_326 : i32 to index
        %get3A_432 = arith.constant 112 : index
        %get3A_433 = tpu.vector_load %arg15[%get3A_431, %get3A_432] {strides = array<i32>} : memref<80x128xf32, #tpu.memory_space<vmem>>, vector<16xf32>,
        %mul3A_434 = arith.mulf %get3A_430, %get3A_433 : vector<16xf32>
        %add3A_435 = arith.addf %get3A_427, %mul3A_434 : vector<16xf32>
        %swap3A_436 = arith.index_cast %scan3A_326 : i32 to index
        %swap3A_437 = arith.constant 112 : index
        %swap3A_438 = tpu.vector_load %arg13[%swap3A_436, %swap3A_437] {strides = array<i32>} : memref<80x128xf32, #tpu.memory_space<vmem>>, vector<16xf32>,
        tpu.vector_store %arg13[%swap3A_436, %swap3A_437], %add3A_435 {strides = array<i32>} : memref<80x128xf32, #tpu.memory_space<vmem>>, vector<16xf32>,
      }
      %scan3A_315 = arith.constant 80 : i32
      "tpu.region"() ({
        %run_scoped3A = tpu.sem_alloc : memref<!tpu.dma_semaphore, #tpu.memory_space<semaphore_mem>>
        %dma_start3A_326 = arith.constant 0 : i32
        %dma_start3A_327 = arith.constant 0 : i32
        %dma_start3A_328 = tpu.memref_slice %arg8[%dma_start3A_326, %dma_start3A_327] : memref<10240x128xf32, #tpu.memory_space<vmem_shared>> -> memref<10240x128xf32, #tpu.memory_space<vmem_shared>>
        tpu.enqueue_indirect_dma source(%arg13 : memref<80x128xf32, #tpu.memory_space<vmem>>) target(%dma_start3A_328 : memref<10240x128xf32, #tpu.memory_space<vmem_shared>>) offsets(%arg12 : memref<80xi32, #tpu.memory_space<vmem>>) semaphore(%run_scoped3A : memref<!tpu.dma_semaphore, #tpu.memory_space<semaphore_mem>>) {add = true}
        %dma_wait3A_329 = arith.constant 0 : i32
        %dma_wait3A_330 = arith.constant 0 : i32
        %dma_wait3A_331 = tpu.memref_slice %arg8[%dma_wait3A_329, %dma_wait3A_330] : memref<10240x128xf32, #tpu.memory_space<vmem_shared>> -> memref<10240x128xf32, #tpu.memory_space<vmem_shared>>
        tpu.wait_indirect_dma semaphore(%run_scoped3A : memref<!tpu.dma_semaphore, #tpu.memory_space<semaphore_mem>>) src(%arg13 : memref<80x128xf32, #tpu.memory_space<vmem>>) dst(%dma_wait3A_331 : memref<10240x128xf32, #tpu.memory_space<vmem_shared>>)
        tpu.yield
      }) : () -> ()
      %get3A_316 = arith.constant 0 : index
      %get3A_317 = tpu.vector_load %arg12[%get3A_316] {strides = array<i32>} : memref<80xi32, #tpu.memory_space<vmem>>, vector<16xi32>,
      tpu.vector_store_idx %arg16[%get3A_317], %broadcast_in_dim3A_2 : memref<10240xf32, #tpu.memory_space<vmem>>[vector<16xi32>], vector<16xf32>,
      %get3A_318 = arith.constant 16 : index
      %get3A_319 = tpu.vector_load %arg12[%get3A_318] {strides = array<i32>} : memref<80xi32, #tpu.memory_space<vmem>>, vector<16xi32>,
      tpu.vector_store_idx %arg16[%get3A_319], %broadcast_in_dim3A_2 : memref<10240xf32, #tpu.memory_space<vmem>>[vector<16xi32>], vector<16xf32>,
      %get3A_320 = arith.constant 32 : index
      %get3A_321 = tpu.vector_load %arg12[%get3A_320] {strides = array<i32>} : memref<80xi32, #tpu.memory_space<vmem>>, vector<16xi32>,
      tpu.vector_store_idx %arg16[%get3A_321], %broadcast_in_dim3A_2 : memref<10240xf32, #tpu.memory_space<vmem>>[vector<16xi32>], vector<16xf32>,
      %get3A_322 = arith.constant 48 : index
      %get3A_323 = tpu.vector_load %arg12[%get3A_322] {strides = array<i32>} : memref<80xi32, #tpu.memory_space<vmem>>, vector<16xi32>,
      tpu.vector_store_idx %arg16[%get3A_323], %broadcast_in_dim3A_2 : memref<10240xf32, #tpu.memory_space<vmem>>[vector<16xi32>], vector<16xf32>,
      %get3A_324 = arith.constant 64 : index
      %get3A_325 = tpu.vector_load %arg12[%get3A_324] {strides = array<i32>} : memref<80xi32, #tpu.memory_space<vmem>>, vector<16xi32>,
      tpu.vector_store_idx %arg16[%get3A_325], %broadcast_in_dim3A_2 : memref<10240xf32, #tpu.memory_space<vmem>>[vector<16xi32>], vector<16xf32>,
    }
    %scan3A_42 = arith.constant 25 : i32
    %barrier3A_43 = arith.constant 0 : index
    tpu.barrier barrier_id(%barrier3A_43)
    "tpu.region"() ({
      %run_scoped3A = tpu.sem_alloc : memref<!tpu.dma_semaphore, #tpu.memory_space<semaphore_mem>>
      %dma_start3A = arith.constant 0 : i32
      %dma_start3A_44 = tpu.memref_slice %arg6[%arg0, %mul3A_14, %dma_start3A] : memref<2x10240x128xf32, #tpu.memory_space<hbm>> -> memref<1x640x128xf32, #tpu.memory_space<hbm>>
      %dma_start3A_45 = tpu.memref_squeeze %dma_start3A_44 : memref<1x640x128xf32, #tpu.memory_space<hbm>> -> memref<640x128xf32, #tpu.memory_space<hbm>>
      %dma_start3A_46 = arith.constant 0 : i32
      %dma_start3A_47 = tpu.memref_slice %arg8[%mul3A_14, %dma_start3A_46] : memref<10240x128xf32, #tpu.memory_space<vmem_shared>> -> memref<640x128xf32, #tpu.memory_space<vmem_shared>>
      tpu.enqueue_dma source(%dma_start3A_47 : memref<640x128xf32, #tpu.memory_space<vmem_shared>>) target(%dma_start3A_45 : memref<640x128xf32, #tpu.memory_space<hbm>>) target_semaphore(%run_scoped3A : memref<!tpu.dma_semaphore, #tpu.memory_space<semaphore_mem>>)
      %dma_wait3A = arith.constant 0 : i32
      %dma_wait3A_48 = tpu.memref_slice %arg6[%arg0, %mul3A_14, %dma_wait3A] : memref<2x10240x128xf32, #tpu.memory_space<hbm>> -> memref<1x640x128xf32, #tpu.memory_space<hbm>>
      %dma_wait3A_49 = tpu.memref_squeeze %dma_wait3A_48 : memref<1x640x128xf32, #tpu.memory_space<hbm>> -> memref<640x128xf32, #tpu.memory_space<hbm>>
      %dma_wait3A_50 = arith.constant 0 : i32
      %dma_wait3A_51 = tpu.memref_slice %arg8[%mul3A_14, %dma_wait3A_50] : memref<10240x128xf32, #tpu.memory_space<vmem_shared>> -> memref<640x128xf32, #tpu.memory_space<vmem_shared>>
      tpu.wait_dma2 semaphore(%run_scoped3A : memref<!tpu.dma_semaphore, #tpu.memory_space<semaphore_mem>>) src(%dma_wait3A_51 : memref<640x128xf32, #tpu.memory_space<vmem_shared>>) dst(%dma_wait3A_49 : memref<640x128xf32, #tpu.memory_space<hbm>>)
      tpu.yield
    }) : () -> ()
    "tpu.region"() ({
      %run_scoped3A = tpu.sem_alloc : memref<!tpu.dma_semaphore, #tpu.memory_space<semaphore_mem>>
      %dma_start3A = arith.constant 0 : i32
      %dma_start3A_44 = tpu.memref_slice %arg7[%add3A_34, %dma_start3A] : memref<32x10240xf32, #tpu.memory_space<hbm>> -> memref<1x10240xf32, #tpu.memory_space<hbm>>
      %dma_start3A_45 = tpu.memref_squeeze %dma_start3A_44 : memref<1x10240xf32, #tpu.memory_space<hbm>> -> memref<10240xf32, #tpu.memory_space<hbm>>
      %dma_start3A_46 = arith.constant 0 : i32
      %dma_start3A_47 = tpu.memref_slice %arg7[%add3A_34, %dma_start3A_46] : memref<32x10240xf32, #tpu.memory_space<hbm>> -> memref<1x10240xf32, #tpu.memory_space<hbm>>
      %dma_start3A_48 = tpu.memref_squeeze %dma_start3A_47 : memref<1x10240xf32, #tpu.memory_space<hbm>> -> memref<10240xf32, #tpu.memory_space<hbm>>
      tpu.enqueue_dma source(%arg16 : memref<10240xf32, #tpu.memory_space<vmem>>) target(%dma_start3A_48 : memref<10240xf32, #tpu.memory_space<hbm>>) target_semaphore(%run_scoped3A : memref<!tpu.dma_semaphore, #tpu.memory_space<semaphore_mem>>)
      %dma_wait3A = arith.constant 0 : i32
      %dma_wait3A_49 = tpu.memref_slice %arg7[%add3A_34, %dma_wait3A] : memref<32x10240xf32, #tpu.memory_space<hbm>> -> memref<1x10240xf32, #tpu.memory_space<hbm>>
      %dma_wait3A_50 = tpu.memref_squeeze %dma_wait3A_49 : memref<1x10240xf32, #tpu.memory_space<hbm>> -> memref<10240xf32, #tpu.memory_space<hbm>>
      %dma_wait3A_51 = arith.constant 0 : i32
      %dma_wait3A_52 = tpu.memref_slice %arg7[%add3A_34, %dma_wait3A_51] : memref<32x10240xf32, #tpu.memory_space<hbm>> -> memref<1x10240xf32, #tpu.memory_space<hbm>>
      %dma_wait3A_53 = tpu.memref_squeeze %dma_wait3A_52 : memref<1x10240xf32, #tpu.memory_space<hbm>> -> memref<10240xf32, #tpu.memory_space<hbm>>
      tpu.wait_dma2 semaphore(%run_scoped3A : memref<!tpu.dma_semaphore, #tpu.memory_space<semaphore_mem>>) src(%arg16 : memref<10240xf32, #tpu.memory_space<vmem>>) dst(%dma_wait3A_53 : memref<10240xf32, #tpu.memory_space<hbm>>)
      tpu.yield
    }) : () -> ()
    return
  }
}

module attributes {stable_mosaic.version = 14 : i64} {
  func.func @_tc_body(%arg0: i32, %arg1: memref<2x1000x128xf32, #tpu.memory_space<vmem>>, %arg2: memref<1000x32xf32, #tpu.memory_space<vmem>>, %arg3: memref<1000x128xf32, #tpu.memory_space<vmem>>, %arg4: memref<1000x1xf32, #tpu.memory_space<vmem>>, %arg5: memref<128x128xf32, #tpu.memory_space<vmem>>, %arg6: memref<128x128xf32, #tpu.memory_space<vmem>>, %arg7: memref<128x128xf32, #tpu.memory_space<vmem>>, %arg8: memref<1000x128xf32, #tpu.memory_space<vmem>>) attributes {dimension_semantics = [#tpu.dimension_semantics<arbitrary>], iteration_bounds = array<i64: 10>, scalar_prefetch = 0 : i64, scratch_operands = 0 : i64, tpu.core_type = #tpu.core_type<tc>, window_params = [{transform_indices = @transform_0, window_bounds = array<i64: 2, 1000, 128>}, {transform_indices = @transform_1, window_bounds = array<i64: 1000, 32>}, {transform_indices = @transform_2, window_bounds = array<i64: 1000, 128>}, {transform_indices = @transform_3, window_bounds = array<i64: 1000, 1>}, {pipeline_mode = #tpu.pipeline_mode<synchronous>, transform_indices = @transform_4, window_bounds = array<i64: 128, 128>}, {pipeline_mode = #tpu.pipeline_mode<synchronous>, transform_indices = @transform_5, window_bounds = array<i64: 128, 128>}, {pipeline_mode = #tpu.pipeline_mode<synchronous>, transform_indices = @transform_6, window_bounds = array<i64: 128, 128>}, {transform_indices = @transform_7, window_bounds = array<i64: 1000, 128>}]} {
    %get3A = arith.constant 0 : index
    %get3A_0 = arith.constant 0 : index
    %get3A_1 = arith.constant 0 : index
    %get3A_2 = vector.load %arg1[%get3A, %get3A_0, %get3A_1] : memref<2x1000x128xf32, #tpu.memory_space<vmem>>, vector<1x1000x128xf32>
    %get3A_3 = vector.shape_cast %get3A_2 : vector<1x1000x128xf32> to vector<1000x128xf32>
    %get3A_4 = arith.constant 1 : index
    %get3A_5 = arith.constant 0 : index
    %get3A_6 = arith.constant 0 : index
    %get3A_7 = vector.load %arg1[%get3A_4, %get3A_5, %get3A_6] : memref<2x1000x128xf32, #tpu.memory_space<vmem>>, vector<1x1000x128xf32>
    %get3A_8 = vector.shape_cast %get3A_7 : vector<1x1000x128xf32> to vector<1000x128xf32>
    %add3A = arith.addf %get3A_3, %get3A_8 : vector<1000x128xf32>
    %get3A_9 = arith.constant 0 : index
    %get3A_10 = arith.constant 0 : index
    %get3A_11 = vector.load %arg2[%get3A_9, %get3A_10] : memref<1000x32xf32, #tpu.memory_space<vmem>>, vector<1000x32xf32>
    %reduce_sum3A = arith.constant dense<0.000000e+00> : vector<1000xf32>
    %reduce_sum3A_12 = vector.multi_reduction <add>, %get3A_11, %reduce_sum3A [1] : vector<1000x32xf32> to vector<1000xf32>
    %broadcast_in_dim3A = vector.shape_cast %reduce_sum3A_12 : vector<1000xf32> to vector<1000x1xf32>
    %get3A_13 = arith.constant 0 : index
    %get3A_14 = arith.constant 0 : index
    %get3A_15 = vector.load %arg3[%get3A_13, %get3A_14] : memref<1000x128xf32, #tpu.memory_space<vmem>>, vector<1000x128xf32>
    %get3A_16 = arith.constant 0 : index
    %get3A_17 = arith.constant 0 : index
    %get3A_18 = vector.load %arg5[%get3A_16, %get3A_17] : memref<128x128xf32, #tpu.memory_space<vmem>>, vector<128x128xf32>
    %dot_general3A = arith.constant dense<0.000000e+00> : vector<1000x128xf32>
    %dot_general3A_19 = tpu.matmul %add3A, %get3A_18, %dot_general3A {dimension_numbers = #tpu.dot_dimension_numbers<[1], [0], [0], [1], [0, 0, 1, 1], [], []>, transpose_lhs_hint = false} : vector<1000x128xf32>, vector<128x128xf32>, vector<1000x128xf32> -> vector<1000x128xf32>
    %get3A_20 = arith.constant 0 : index
    %get3A_21 = arith.constant 0 : index
    %get3A_22 = vector.load %arg6[%get3A_20, %get3A_21] : memref<128x128xf32, #tpu.memory_space<vmem>>, vector<128x128xf32>
    %dot_general3A_23 = arith.constant dense<0.000000e+00> : vector<1000x128xf32>
    %dot_general3A_24 = tpu.matmul %get3A_15, %get3A_22, %dot_general3A_23 {dimension_numbers = #tpu.dot_dimension_numbers<[1], [0], [0], [1], [0, 0, 1, 1], [], []>, transpose_lhs_hint = false} : vector<1000x128xf32>, vector<128x128xf32>, vector<1000x128xf32> -> vector<1000x128xf32>
    %get3A_25 = arith.constant 0 : index
    %get3A_26 = arith.constant 0 : index
    %get3A_27 = vector.load %arg7[%get3A_25, %get3A_26] : memref<128x128xf32, #tpu.memory_space<vmem>>, vector<128x128xf32>
    %dot_general3A_28 = arith.constant dense<0.000000e+00> : vector<1000x128xf32>
    %dot_general3A_29 = tpu.matmul %get3A_15, %get3A_27, %dot_general3A_28 {dimension_numbers = #tpu.dot_dimension_numbers<[1], [0], [0], [1], [0, 0, 1, 1], [], []>, transpose_lhs_hint = false} : vector<1000x128xf32>, vector<128x128xf32>, vector<1000x128xf32> -> vector<1000x128xf32>
    %get3A_30 = arith.constant 0 : index
    %get3A_31 = arith.constant 0 : index
    %get3A_32 = vector.load %arg4[%get3A_30, %get3A_31] : memref<1000x1xf32, #tpu.memory_space<vmem>>, vector<1000x1xf32>
    %mul3A = vector.broadcast %get3A_32 : vector<1000x1xf32> to vector<1000x128xf32>
    %mul3A_33 = arith.mulf %dot_general3A_19, %mul3A : vector<1000x128xf32>
    %gt3A = arith.constant 0.000000e+00 : f32
    %gt3A_34 = vector.broadcast %gt3A : f32 to vector<1000x1xf32>
    %gt3A_35 = arith.cmpf ogt, %broadcast_in_dim3A, %gt3A_34 : vector<1000x1xf32>
    %broadcast_in_dim3A_36 = vector.shape_cast %gt3A_35 : vector<1000x1xi1> to vector<1000x1xi1>
    %broadcast_in_dim3A_37 = vector.broadcast %broadcast_in_dim3A_36 : vector<1000x1xi1> to vector<1000x128xi1>
    %select_n3A = arith.select %broadcast_in_dim3A_37, %dot_general3A_24, %dot_general3A_29 : vector<1000x128xi1>, vector<1000x128xf32>
    %add3A_38 = arith.addf %mul3A_33, %select_n3A : vector<1000x128xf32>
    %swap3A = arith.constant 0 : index
    %swap3A_39 = arith.constant 0 : index
    %swap3A_40 = vector.load %arg8[%swap3A, %swap3A_39] : memref<1000x128xf32, #tpu.memory_space<vmem>>, vector<1000x128xf32>
    tpu.vector_store %arg8[%swap3A, %swap3A_39], %add3A_38 {strides = array<i32>} : memref<1000x128xf32, #tpu.memory_space<vmem>>, vector<1000x128xf32>,
    return
  }
  func.func @transform_0(%arg0: i32) -> (i32, i32, i32) {
    %c0_i32 = arith.constant 0 : i32
    %c0_i32_0 = arith.constant 0 : i32
    %c0_i32_1 = arith.constant 0 : i32
    return %c0_i32, %arg0, %c0_i32_0 : i32, i32, i32
  }
  func.func @transform_1(%arg0: i32) -> (i32, i32) {
    %c0_i32 = arith.constant 0 : i32
    %c0_i32_0 = arith.constant 0 : i32
    return %arg0, %c0_i32 : i32, i32
  }
  func.func @transform_2(%arg0: i32) -> (i32, i32) {
    %c0_i32 = arith.constant 0 : i32
    %c0_i32_0 = arith.constant 0 : i32
    return %arg0, %c0_i32 : i32, i32
  }
  func.func @transform_3(%arg0: i32) -> (i32, i32) {
    %c0_i32 = arith.constant 0 : i32
    %c0_i32_0 = arith.constant 0 : i32
    return %arg0, %c0_i32 : i32, i32
  }
  func.func @transform_4(%arg0: i32) -> (i32, i32) {
    %c0_i32 = arith.constant 0 : i32
    %c0_i32_0 = arith.constant 0 : i32
    %c0_i32_1 = arith.constant 0 : i32
    return %c0_i32, %c0_i32_0 : i32, i32
  }
  func.func @transform_5(%arg0: i32) -> (i32, i32) {
    %c0_i32 = arith.constant 0 : i32
    %c0_i32_0 = arith.constant 0 : i32
    %c0_i32_1 = arith.constant 0 : i32
    return %c0_i32, %c0_i32_0 : i32, i32
  }
  func.func @transform_6(%arg0: i32) -> (i32, i32) {
    %c0_i32 = arith.constant 0 : i32
    %c0_i32_0 = arith.constant 0 : i32
    %c0_i32_1 = arith.constant 0 : i32
    return %c0_i32, %c0_i32_0 : i32, i32
  }
  func.func @transform_7(%arg0: i32) -> (i32, i32) {
    %c0_i32 = arith.constant 0 : i32
    %c0_i32_0 = arith.constant 0 : i32
    return %arg0, %c0_i32 : i32, i32
  }
}

</mosaic_0001>

<sc_bundles>
// kernel: kernel.4.cloned.1.call-start
scs
__scs_entry_jumppad:
0x0: {  	(pc) =	sbr.rel $0x88, $3  }
0x1: {  	(tag) =	ssettag $0x0;
	lr =	simm.s32 $0x1  }
0x2: {  	[smem:$0x3F97] =	sst lr;
	_ =	strace $0xD0000000  }
0x3: {  	_ = 	snop  }
0x4: {  	_ = 	snop  }
0x5: {  	_ = 	snop  }
0x6: {  	_ = 	snop  }
0x7: {  	_ = 	snop  }
__scs_overlays_trampoline_lowered:
0x8: {  	[smem:$0x3FA6] =	sst s0  }
0x9: {  	[smem:$0x3FA7] =	sst s1  }
0xa: {  	[smem:$0x3FA8] =	sst s2  }
0xb: {  	[smem:$0x3FA9] =	sst s3  }
0xc: {  	[smem:$0x3FAA] =	sst s4  }
0xd: {  	[smem:$0x3FAB] =	sst s5  }
0xe: {  	[smem:$0x3FAC] =	sst s6  }
0xf: {  	[smem:$0x3FAD] =	sst s7  }
0x10: {  	[smem:$0x3FAE] =	sst s8  }
0x11: {  	[smem:$0x3FAF] =	sst s9;
	s0 =	simm.s32 @!p0 $0x0  }
0x12: {  	s1 =	sld [smem:$0x3F95];
	s0 =	simm.s32 @p0 $0x1  }
0x13: {  	[smem:$0x3FB0] =	sst s0;
	s0 =	simm.s32 @!p1 $0x0  }
0x14: {  	s2 =	sld [smem:$0x3F94];
	s0 =	simm.s32 @p1 $0x1  }
0x15: {  	[smem:$0x3FB1] =	sst s0;
	s0 =	simm.s32 @!p2 $0x0  }
0x16: {  	s3 =	sld [smem:$0x3FDB];
	s0 =	simm.s32 @p2 $0x1  }
0x17: {  	s4 =	simm.s32 $0x1BF5;
	[smem:$0x3FB3] =	sst s0  }
0x18: {  	s0 =	sld [smem:$0x3F96];
	_ =	swait.ge [sflag:s4], $0x0  }
0x19: {  	s7 =	sld [smem:$0x3F97]  }
0x1a: {  	s8 =	sadd.s32 $0xFFFFE003, lr  }
0x1b: {  	s9 =	sadd.s32 $0xFFFFFEF7, lr;
	s5 =	simm.s32 $0xFFFFFFFF;
	p2 =	slt.u32 s8, $0xFFFFF086  }
0x1c: {  	p1 =	slt.u32 s9, $0xF7A;
	s5 =	simm.s32 @!p2 $0x0  }
0x1d: {  	s5 =	simm.s32 @p1 $0x1;
	p0 =	seq.s32 s7, s2  }
0x1e: {  	s7 =	smul.u32 @!p0 $0xF7A, s2;
	p2 =	seq.s32 @!p0 s5, $0x0  }
0x1f: {  	s9 =	smul.u32 $0xF7A, s1;
	s8 =	simm.s32 @!p0 $0x1BF5;
	p2 =	por !p2, p0  }
0x20: {  	[sflag:s8] =	ssyncset.s32 @!p0 $0xFFFFF086;
	s6 =	sadd.s32 @!p0 s3, s7;
	s7 =	simm.s32 @!p0 $0x108  }
0x21: {  	s3 =	sadd.s32 s3, s9;
	s6 =	sadd.s32 @!p0 $0x88, s6;
	s7 =	simm.s32 @p2 $0x1082  }
0x22: {  	[simem:s7], [sflag:s8] =	dma.local @!p0 [hbm:s6], $0xF7A  }
0x23: {  	s9 =	sor.u32 $0xD0000000, s2;
	s6 =	simm.s32 $0x108;
	_ =	swait.ge @!p0 [sflag:s8], $0x0  }
0x24: {  	s3 =	sadd.s32 $0x88, s3;
	s6 =	simm.s32 @!p1 $0x1082;
	[sflag:s4] =	ssyncset.s32 $0xFFFFF086  }
0x25: {  	[simem:s6], [sflag:s4] =	dma.local [hbm:s3], $0xF7A  }
0x26: {  	[smem:$0x3F97] =	sst s1;
	(tag) =	ssettag s2;
	_ =	strace s9  }
0x27: {  	s1 =	sld [smem:$0x3FA7]  }
0x28: {  	s2 =	sld [smem:$0x3FA8]  }
0x29: {  	s4 =	sld [smem:$0x3FAA]  }
0x2a: {  	p0 =	seq.s32 s5, $0x0;
	s5 =	sld [smem:$0x3FAB]  }
0x2b: {  	s6 =	sld [smem:$0x3FAC]  }
0x2c: {  	s7 =	sld [smem:$0x3FAD]  }
0x2d: {  	s3 =	simm.s32 $0x108;
	s8 =	sld [smem:$0x3FAE]  }
0x2e: {  	s3 =	simm.s32 @!p0 $0x1082;
	s9 =	sld [smem:$0x3FAF]  }
0x2f: {  	lr =	sadd.s32 s0, s3;
	s0 =	sld [smem:$0x3FA6]  }
0x30: {  	s3 =	sld [smem:$0x3FA9]  }
0x31: {  	[smem:$0x3FB2] =	sst s10  }
0x32: {  	s10 =	sld [smem:$0x3FB0];
	_ =	sdelay $0x3  }
0x33: {  	p0 =	seq.s32 s10, $0x1;
	s10 =	sld [smem:$0x3FB2];
	_ =	sdelay $0x3  }
0x34: {  	[smem:$0x3FB2] =	sst s10  }
0x35: {  	s10 =	sld [smem:$0x3FB1];
	_ =	sdelay $0x3  }
0x36: {  	p1 =	seq.s32 s10, $0x1;
	s10 =	sld [smem:$0x3FB2];
	_ =	sdelay $0x3  }
0x37: {  	[smem:$0x3FB2] =	sst s10  }
0x38: {  	s10 =	sld [smem:$0x3FB3]  }
0x39: {  	_ = 	snop;
	(pc) =	sbr.ind lr, $3  }
0x3a: {  	_ = 	snop  }
0x3b: {  	_ = 	snop  }
0x3c: {  	p2 =	seq.s32 s10, $0x1;
	s10 =	sld [smem:$0x3FB2]  }
0x3d: {  	_ =	shalt  }
0x3e: {  	_ =	shalt  }
0x3f: {  	_ =	shalt  }
0x40: {  	_ =	shalt  }
0x41: {  	_ =	shalt  }
0x42: {  	_ =	shalt  }
0x43: {  	_ =	shalt  }
0x44: {  	_ =	shalt  }
0x45: {  	_ =	shalt  }
0x46: {  	_ =	shalt  }
0x47: {  	_ =	shalt  }
0x48: {  	_ =	shalt  }
0x49: {  	_ =	shalt  }
0x4a: {  	_ =	shalt  }
0x4b: {  	_ =	shalt  }
0x4c: {  	_ =	shalt  }
0x4d: {  	_ =	shalt  }
0x4e: {  	_ =	shalt  }
0x4f: {  	_ =	shalt  }
0x50: {  	_ =	shalt  }
0x51: {  	_ =	shalt  }
0x52: {  	_ =	shalt  }
0x53: {  	_ =	shalt  }
0x54: {  	_ =	shalt  }
0x55: {  	_ =	shalt  }
0x56: {  	_ =	shalt  }
0x57: {  	_ =	shalt  }
0x58: {  	_ =	shalt  }
0x59: {  	_ =	shalt  }
0x5a: {  	_ =	shalt  }
0x5b: {  	_ =	shalt  }
0x5c: {  	_ =	shalt  }
0x5d: {  	_ =	shalt  }
0x5e: {  	_ =	shalt  }
0x5f: {  	_ =	shalt  }
0x60: {  	_ =	shalt  }
0x61: {  	_ =	shalt  }
0x62: {  	_ =	shalt  }
0x63: {  	_ =	shalt  }
0x64: {  	_ =	shalt  }
0x65: {  	_ =	shalt  }
0x66: {  	_ =	shalt  }
0x67: {  	_ =	shalt  }
0x68: {  	_ =	shalt  }
0x69: {  	_ =	shalt  }
0x6a: {  	_ =	shalt  }
0x6b: {  	_ =	shalt  }
0x6c: {  	_ =	shalt  }
0x6d: {  	_ =	shalt  }
0x6e: {  	_ =	shalt  }
0x6f: {  	_ =	shalt  }
0x70: {  	_ =	shalt  }
0x71: {  	_ =	shalt  }
0x72: {  	_ =	shalt  }
0x73: {  	_ =	shalt  }
0x74: {  	_ =	shalt  }
0x75: {  	_ =	shalt  }
0x76: {  	_ =	shalt  }
0x77: {  	_ =	shalt  }
0x78: {  	_ =	shalt  }
0x79: {  	_ =	shalt  }
0x7a: {  	_ =	shalt  }
0x7b: {  	_ =	shalt  }
0x7c: {  	_ =	shalt  }
0x7d: {  	_ =	shalt  }
0x7e: {  	_ =	shalt  }
0x7f: {  	_ =	shalt  }
0x80: {  	_ =	shalt  }
0x81: {  	_ =	shalt  }
0x82: {  	_ =	shalt  }
0x83: {  	_ =	shalt  }
0x84: {  	_ =	shalt  }
0x85: {  	_ =	shalt  }
0x86: {  	_ =	shalt  }
0x87: {  	_ =	shalt  }
.Lfunc_end0:
.L_simem_size_0:
called_computation_lowered:
.L_overlay_start_0:
0x88: {  	s2 =	sld [smem:$0x3FD9]  }
0x89: {  	s3 =	sld [smem:$0x3FFE];
	_ =	sdelay $0x1  }
0x8a: {  	s1 =	srdreg.scid  }
0x8b: {  	s0 =	sand.u32 $0x1, s1  }
0x8c: {  	s17 =	sshll.u32 s0, $0xA;
	s2 =	sadd.s32 s3, s2  }
0x8d: {  	s2 =	sadd.s32 s2, s17  }
0x8e: {  	[smem:$0x3FBE] =	sst s2  }
0x8f: {  	_ = 	snop  }
0x90: {  	s2 =	sld [smem:$0x3FC4]  }
0x91: {  	s18 =	sld [smem:$0x3FC3]  }
0x92: {  	s4 =	sld [smem:$0x3FD0];
	(tm) =	ssettm $0x1  }
0x93: {  	s5 =	sld [smem:$0x3FFB];
	_ =	sdelay $0x3  }
0x94: {  	_ =	strace s5  }
0x95: {  	s5 =	sld [smem:$0x3FFC];
	_ =	sdelay $0x3  }
0x96: {  	_ =	strace s5  }
0x97: {  	s5 =	sld [smem:$0x3FFD];
	_ =	sdelay $0x3  }
0x98: {  	_ =	strace s5  }
0x99: {  	_ =	strace $0x8FFFFFFF  }
0x9a: {  	s19 =	sld [smem:$0x3FDB];
	_ =	sdelay $0x1  }
0x9b: {  	s6 =	simm.s32 $_scs_section_size  }
0x9c: {  	s7 =	simm.s32 $_size__tile_overlayer_lowered;
	s8 =	simm.s32 $_tile_overlayer_lowered  }
0x9d: {  	s22 =	simm.s32 $0x1BFF;
	s21 =	sshll.u32 s8, $0x1;
	s5 =	sadd.s32 s6, s19  }
0x9e: {  	s9 =	simm.s32 $0x0;
	s20 =	sshll.u32 s7, $0x1;
	s7 =	sadd.s32 s21, s5  }
0x9f: {  	[timem:s9], [sflag:s22] =	dma.local [hbm:s7], s20  }
0xa0: {  	_ =	swait.ge [sflag:s22], s20  }
0xa1: {  	s6 =	ssub.s32 $0x0, s20;
	[sflag:s22] =	ssyncset.done $0x0  }
0xa2: {  	[sflag:s22] =	ssyncadd.s32 s6;
	_ =	sdelay $0x1  }
0xa3: {  	s23 =	simm.s32 $0x1B8B  }
0xa4: {  	_ =	swait.ge [sflag:s23], $0x1  }
0xa5: {  	[sflag:s23] =	ssyncset.done $0x0  }
0xa6: {  	s25 =	simm.s32 $0x1B8E;
	s24 =	sld [smem:$0x3FFE];
	[sflag:s23] =	ssyncadd.s32 $0xFFFFFFFF  }
0xa7: {  	s26 =	simm.s32 $execute0_lowered;
	[smem:$0x3FD2] =	sst s25  }
0xa8: {  	s7 =	sshll.u32 s26, $0x1;
	_ =	strace $0x80000046;
	[dreg:$0x1] =	wrdreg $0xFFFFFFFF  }
0xa9: {  	s28 =	simm.s32 $_size_execute0_lowered;
	s5 =	sadd.s32 s5, s7;
	[dreg:$0x0] =	wrdreg $0x0  }
0xaa: {  	s7 =	sshll.u32 s28, $0x1;
	[dreg:$0x2] =	wrdreg s5  }
0xab: {  	[dreg:$0x3] =	wrdreg s7  }
0xac: {  	[dreg:$0x4] =	wrdreg $0xC0  }
0xad: {  	_ =	task [dreg:s9], $0x5FFFF  }
0xae: {  	[dreg:$0x1] =	wrdreg $0xFFFFFFFF  }
0xaf: {  	[dreg:$0x0] =	wrdreg $0x60  }
0xb0: {  	[dreg:$0x2] =	wrdreg s4  }
0xb1: {  	[dreg:$0x3] =	wrdreg s2  }
0xb2: {  	[dreg:$0x4] =	wrdreg s18  }
0xb3: {  	[dreg:$0x5] =	wrdreg s24  }
0xb4: {  	[dreg:$0x6] =	wrdreg $0x0  }
0xb5: {  	[dreg:$0x7] =	wrdreg $0x140000  }
0xb6: {  	[dreg:$0x8] =	wrdreg $0x146400  }
0xb7: {  	[dreg:$0x9] =	wrdreg $0x9  }
0xb8: {  	_ =	task.clear_ibuf [dreg:s9], $0xAFFFF;
	_ =	strace $0x90000046  }
0xb9: {  	s29 =	simm.s32 $0x9;
	_ =	strace $0x80000048  }
0xba: {  	_ =	swait.ge [sflag:s29], $0x1  }
0xbb: {  	[sflag:s29] =	ssyncadd.s32 $0xFFFFFFFF  }
0xbc: {  	_ =	strace $0x90000048  }
0xbd: {  	_ =	sfence  }
0xbe: {  	s30 =	sld [smem:$0x0];
	_ =	sdelay $0x2  }
0xbf: {  	s31 =	sshll.u32 s1, $0xD;
	s1 =	sshrl.u32 s1, $0x2  }
0xc0: {  	s3 =	sand.u32 $0x4000, s31;
	s1 =	sadd.s32 s1, s30  }
0xc1: {  	s0 =	sor.u32 s3, s0;
	s1 =	sshll.u32 s1, $0x11  }
0xc2: {  	s0 =	sor.u32 s1, s0  }
0xc3: {  	s0 =	sadd.s32 $0x8F2B, s0  }
0xc4: {  	[sflag:s0] =	ssyncadd.remote.s32 $0x1  }
0xc5: {  	_ =	sfence.sel $0xFFFF  }
0xc6: {  	[dreg:$0x0] =	wrdreg $0xFFFFFFFF;
	(pc) =	sbr.abs _section_cstart, $3  }
0xc7: {  	[dreg:$0x1] =	wrdreg $0xFFFFFFFF  }
0xc8: {  	_ =	task.clear_ibuf [dreg:s9], $0x2FFFF;
	_ =	strace $0x9FFFFFFF  }
0xc9: {  	(tm) =	ssettm $0x7FFFFFFF  }
tec
execute0_lowered:
.L_overlay_start_1:
0x0: {  	(tag) =	ssettag $0x1  }
0x1: {  	s0 =	rddreg [dreg:$0x0]  }
0x2: {  	s1 =	rddreg [dreg:$0x3]  }
0x3: {  	s3 =	rddreg [dreg:$0x4]  }
0x4: {  	s2 =	srdreg.scid;
	s4 =	rddreg [dreg:$0x5]  }
0x5: {  	s13 =	stileid.u32;
	s7 =	rddreg [dreg:$0x6];
	s8 =	simm.s32 $0x0  }
0x6: {  	s28 =	simm.s32 $0x15250;
	s29 =	simm.s32 $0x1A8B0;
	s30 =	simm.s32 $0x1  }
0x7: {  	s31 =	simm.s32 $0x2;
	s2 =	sand.u32 $0x1, s2;
	s9 =	smul.u32 $0x14000, s13  }
0x8: {  	[smem:$0x7FF] =	sst s8;
	s15 =	sshll.u32 s13, $0x7;
	s11 =	smul.u32 $0x50000, s13  }
0x9: {  	p0 =	sne.s32 s13, $0x0;
	s5 =	smul.u32 $0x140000, s2;
	s6 =	sshll.u32 s2, $0x4  }
0xa: {  	_ =	strace $0x80000047;
	s2 =	ssub.s32 $0x2, s2;
	s6 =	sor.u32 s13, s6  }
0xb: {  	s16 =	sshrl.u32 s11, $0x2;
	s12 =	sshrl.u32 s2, $0x1;
	s11 =	simm.s32 $0x154D0  }
0xc: {  	s13 =	simm.s32 $0x15610;
	s10 =	sshrl.u32 s6, $0x3;
	s19 =	sadd.s32 s16, s3  }
0xd: {  	s5 =	sadd.s32 s9, s5;
	s18 =	sadd.s32 $0x2800, s19;
	[dreg:$0x8] =	wrdreg s19  }
0xe: {  	s2 =	ssub.s32 s2, s12;
	s20 =	sadd.s32 $0x5000, s19;
	[dreg:$0x9] =	wrdreg s18  }
0xf: {  	s12 =	simm.s32 $0x155C0;
	s21 =	sadd.s32 $0x7800, s19;
	[dreg:$0xa] =	wrdreg s20  }
0x10: {  	s14 =	smul.u32 $0x14000, s10;
	s22 =	sadd.s32 $0xA000, s19;
	[dreg:$0xb] =	wrdreg s21  }
0x11: {  	s5 =	sshrl.u32 s5, $0x3;
	s23 =	sadd.s32 $0xC800, s19;
	[dreg:$0xc] =	wrdreg s22  }
0x12: {  	s10 =	sand.u32 $0x380, s15;
	s24 =	sadd.s32 $0xF000, s19;
	[dreg:$0xd] =	wrdreg s23  }
0x13: {  	s25 =	sadd.s32 $0x11800, s19;
	s26 =	smax.u32 s2, $0x1;
	[dreg:$0xe] =	wrdreg s24  }
0x14: {  	s2 =	simm.s32 $0x15340;
	s15 =	simm.s32 $0x15750;
	[dreg:$0xf] =	wrdreg s25  }
0x15: {  	s5 =	sadd.s32 s5, s1;
	[dreg:$0x12] =	wrdreg s26;
	s21 =	simm.s32 $0x158B0  }
0x16: {  	s22 =	simm.s32 $0x3;
	s23 =	simm.s32 $0x151B0;
	s24 =	simm.s32 $0x50  }
0x17: {  	s25 =	simm.s32 $0x15200;
	s26 =	simm.s32 $0x180B0;
	s9 =	sor.u32 s10, s14  }
0x18: {  	s5 =	sadd.s32 $0xB400, s5;
	s10 =	simm.s32 $0x15480;
	s17 =	sshrl.u32 s9, $0x3  }
0x19: {  	s14 =	simm.s32 $0x15700;
	[dreg:$0x10] =	wrdreg s5;
	s1 =	sadd.s32 s17, s1  }
0x1a: {  	s5 =	simm.s32 $0x15390;
	s17 =	smul.u32 $0x7D, s6;
	s1 =	sadd.s32 $0x1400, s1  }
0x1b: {  	v0 =	vimm.f32 $0.0e+00;
	v1 =	vimm.f32 $1.000000000e+00;
	s6 =	simm.s32 $0x15830;
	[dreg:$0x11] =	wrdreg s1;
	s1 =	simm.s32 $0x1D0B0  }
.LBB2_1:
0x1c: {  	s16 =	simm.s32 $0x0  }
.LBB2_2:
0x1d: {  	p1 =	sne.s32 s16, $0x9FC0  }
.Ltmp0:
0x1e: {  	_ = 	snop;
	(pc) =	sbr.rel @p1 .LBB2_2-.Ltmp0, $3  }
0x1f: {  	_ =	sdelay $0x1  }
0x20: {  	s18 =	sshra.s32 s16, $0x2  }
0x21: {  	s16 =	sadd.s32 $0x40, s16;
	[tilespmem:s18+$0x1D0B0] =	vst v0  }
0x22: {  	s16 =	simm.s32 $0x0;
	s18 =	simm.s32 $0x200  }
.LBB2_4:
0x23: {  	p1 =	sne.s32 s18, $0x9E00;
	[tilespmem:s16+$0x15920] =	vst v0  }
0x24: {  	[tilespmem:s16+$0x158B0] =	vst v0  }
0x25: {  	[tilespmem:s16+$0x158C0] =	vst v0  }
.Ltmp1:
0x26: {  	[tilespmem:s16+$0x158D0] =	vst v0;
	(pc) =	sbr.rel @p1 .LBB2_4-.Ltmp1, $4  }
0x27: {  	[tilespmem:s16+$0x158E0] =	vst v0  }
0x28: {  	[tilespmem:s16+$0x158F0] =	vst v0  }
0x29: {  	[tilespmem:s16+$0x15900] =	vst v0  }
0x2a: {  	[tilespmem:s16+$0x15910] =	vst v0;
	s16 =	sshra.s32 s18, $0x2;
	s18 =	sadd.s32 $0x200, s18  }
0x2b: {  	[tilespmem:s16+$0x15920] =	vst v0  }
0x2c: {  	[tilespmem:s16+$0x158B0] =	vst v0  }
0x2d: {  	[tilespmem:s16+$0x158C0] =	vst v0  }
0x2e: {  	[tilespmem:s16+$0x158D0] =	vst v0  }
0x2f: {  	[tilespmem:s16+$0x158E0] =	vst v0  }
0x30: {  	[tilespmem:s16+$0x158F0] =	vst v0  }
0x31: {  	[tilespmem:s16+$0x15900] =	vst v0  }
0x32: {  	[tilespmem:s16+$0x15910] =	vst v0  }
0x33: {  	[spmem:s19] =	stream.linear.scatter [tilespmem:s21], [sflag:$0x3], $0x2800, $0x38;
	[tilespmem:$0x1F8B0] =	vst v63  }
0x34: {  	_ =	swait.ge [sflag:s22], $0x2800  }
0x35: {  	[sflag:s22] =	ssyncset.done $0x0  }
0x36: {  	s9 =	rddreg [dreg:$0x9];
	[sflag:s22] =	ssyncadd.s32 $0xFFFFD800  }
0x37: {  	[spmem:s9] =	stream.linear.scatter [tilespmem:s21], [sflag:$0x3], $0x2800, $0x38;
	[tilespmem:$0x1F8B0] =	vst v63  }
0x38: {  	_ =	swait.ge [sflag:s22], $0x2800  }
0x39: {  	[sflag:s22] =	ssyncset.done $0x0  }
0x3a: {  	s19 =	rddreg [dreg:$0xa];
	[sflag:s22] =	ssyncadd.s32 $0xFFFFD800  }
0x3b: {  	[spmem:s19] =	stream.linear.scatter [tilespmem:s21], [sflag:$0x3], $0x2800, $0x38;
	[tilespmem:$0x1F8B0] =	vst v63  }
0x3c: {  	_ =	swait.ge [sflag:s22], $0x2800  }
0x3d: {  	[sflag:s22] =	ssyncset.done $0x0  }
0x3e: {  	s20 =	rddreg [dreg:$0xb];
	[sflag:s22] =	ssyncadd.s32 $0xFFFFD800  }
0x3f: {  	[spmem:s20] =	stream.linear.scatter [tilespmem:s21], [sflag:$0x3], $0x2800, $0x38;
	[tilespmem:$0x1F8B0] =	vst v63  }
0x40: {  	_ =	swait.ge [sflag:s22], $0x2800  }
0x41: {  	[sflag:s22] =	ssyncset.done $0x0  }
0x42: {  	s16 =	rddreg [dreg:$0xc];
	[sflag:s22] =	ssyncadd.s32 $0xFFFFD800  }
0x43: {  	[spmem:s16] =	stream.linear.scatter [tilespmem:s21], [sflag:$0x3], $0x2800, $0x38;
	[tilespmem:$0x1F8B0] =	vst v63  }
0x44: {  	_ =	swait.ge [sflag:s22], $0x2800  }
0x45: {  	[sflag:s22] =	ssyncset.done $0x0  }
0x46: {  	s18 =	rddreg [dreg:$0xd];
	[sflag:s22] =	ssyncadd.s32 $0xFFFFD800  }
0x47: {  	[spmem:s18] =	stream.linear.scatter [tilespmem:s21], [sflag:$0x3], $0x2800, $0x38;
	[tilespmem:$0x1F8B0] =	vst v63  }
0x48: {  	_ =	swait.ge [sflag:s22], $0x2800  }
0x49: {  	[sflag:s22] =	ssyncset.done $0x0  }
0x4a: {  	s19 =	rddreg [dreg:$0xe];
	[sflag:s22] =	ssyncadd.s32 $0xFFFFD800  }
0x4b: {  	[spmem:s19] =	stream.linear.scatter [tilespmem:s21], [sflag:$0x3], $0x2800, $0x38;
	[tilespmem:$0x1F8B0] =	vst v63  }
0x4c: {  	_ =	swait.ge [sflag:s22], $0x2800  }
0x4d: {  	[sflag:s22] =	ssyncset.done $0x0  }
0x4e: {  	s20 =	rddreg [dreg:$0xf];
	[sflag:s22] =	ssyncadd.s32 $0xFFFFD800  }
0x4f: {  	[spmem:s20] =	stream.linear.scatter [tilespmem:s21], [sflag:$0x3], $0x2800, $0x38;
	[tilespmem:$0x1F8B0] =	vst v63  }
0x50: {  	_ =	swait.ge [sflag:s22], $0x2800  }
0x51: {  	[sflag:s22] =	ssyncset.done $0x0  }
0x52: {  	[sflag:s22] =	ssyncadd.s32 $0xFFFFD800  }
0x53: {  	s16 =	sshrl.u32 @!p0 s4, $0x3;
	s18 =	simm.s32 @!p0 $0x1C03;
	s9 =	rddreg [dreg:$0x1]  }
0x54: {  	[spmem:s16], [sflag:s18] =	dma.local @!p0 [hbm:s9], $0xC80  }
0x55: {  	s16 =	simm.s32 @!p0 $0x3  }
0x56: {  	_ =	swait.ge @!p0 [sflag:s16], $0xC80  }
0x57: {  	[sflag:s16] =	ssyncset.done @!p0 $0x0  }
0x58: {  	[sflag:s16] =	ssyncadd.s32 @!p0 $0xFFFFF380  }
0x59: {  	s19 =	sshrl.u32 @!p0 s7, $0x3;
	s9 =	rddreg [dreg:$0x2]  }
0x5a: {  	[spmem:s19], [sflag:s18] =	dma.local @!p0 [hbm:s9], $0x16E0  }
0x5b: {  	_ =	swait.ge @!p0 [sflag:s16], $0x16E0  }
0x5c: {  	[sflag:s16] =	ssyncset.done @!p0 $0x0  }
0x5d: {  	[sflag:s16] =	ssyncadd.s32 @!p0 $0xFFFFE920  }
0x5e: {  	s18 =	simm.s32 $0x0;
	s16 =	simm.s32 $0x0;
	[bflag:$0x0] =	sbarrier.arrive $0xFFFF  }
.LBB2_6:
0x5f: {  	s19 =	smul.u32 $0x5, s18;
	_ =	sdelay $0x1  }
0x60: {  	s19 =	sadd.s32 s17, s19  }
0x61: {  	s19 =	smul.u32 $0x28, s19;
	_ =	sdelay $0x1  }
0x62: {  	s19 =	sadd.s32 s0, s19  }
0x63: {  	[tilespmem:s23], [sflag:$0x3] =	stream.linear.gather [hbm4b:s19+s16], $0x640, $0x38;
	[tilespmem:$0x1F8B0] =	vst v63  }
0x64: {  	_ =	swait.ge [sflag:s22], $0x640  }
0x65: {  	[sflag:s22] =	ssyncset.done $0x0  }
0x66: {  	[sflag:s22] =	ssyncadd.s32 $0xFFFFF9C0  }
0x67: {  	[tilespmem:s26], [sflag:$0x1] =	stream.indirect.gather [spmem:s4], $0x80, s25, s24, $0xb8;
	[tilespmem:$0x1F8B0] =	vst v63  }
0x68: {  	_ = 	snop  }
0x69: {  	[tilespmem:s29], [sflag:$0x2] =	stream.indirect.gather [spmem:s7], $0x80, s28, s24, $0xb8;
	[tilespmem:$0x1F8B0] =	vst v63  }
0x6a: {  	v2 =	vld [tilespmem:$0x152A0]  }
0x6b: {  	v3 =	vld [tilespmem:$0x152B0]  }
0x6c: {  	v4 =	vld [tilespmem:$0x152C0]  }
0x6d: {  	v5 =	vld [tilespmem:$0x152D0]  }
0x6e: {  	v6 =	vld [tilespmem:$0x152E0]  }
0x6f: {  	[tilespmem:$0x15830] =	vst v2  }
0x70: {  	[tilespmem:$0x15840] =	vst v3  }
0x71: {  	[tilespmem:$0x15850] =	vst v4  }
0x72: {  	[tilespmem:$0x15860] =	vst v5  }
0x73: {  	[tilespmem:$0x15870] =	vst v6  }
0x74: {  	_ =	swait.ge [sflag:s30], $0x2800  }
0x75: {  	[sflag:s30] =	ssyncset.done $0x0  }
0x76: {  	[sflag:s30] =	ssyncadd.s32 $0xFFFFD800  }
0x77: {  	_ =	swait.ge [sflag:s31], $0x2800  }
0x78: {  	[sflag:s31] =	ssyncset.done $0x0  }
0x79: {  	s19 =	simm.s32 $0x0;
	[sflag:s31] =	ssyncadd.s32 $0xFFFFD800  }
0x7a: {  	v14 =	vld [tilespmem:s19+$0x180B0]  }
0x7b: {  	v19 =	vld [tilespmem:s19+$0x1A8B0]  }
0x7c: {  	v21 =	vld [tilespmem:s19+$0x180C0]  }
0x7d: {  	v22 =	vld [tilespmem:s19+$0x1A8C0]  }
0x7e: {  	v7 =	vld [tilespmem:s19+$0x180D0]  }
0x7f: {  	v12 =	vld [tilespmem:s19+$0x1A8D0]  }
0x80: {  	v10 =	vld [tilespmem:s19+$0x180E0]  }
0x81: {  	v13 =	vld [tilespmem:s19+$0x1A8E0]  }
0x82: {  	v9 =	vld [tilespmem:s19+$0x180F0]  }
0x83: {  	v11 =	vld [tilespmem:s19+$0x1A8F0]  }
0x84: {  	v5 =	vld [tilespmem:s19+$0x18100]  }
0x85: {  	v8 =	vld [tilespmem:s19+$0x1A900]  }
0x86: {  	v3 =	vld [tilespmem:s19+$0x18110]  }
0x87: {  	v6 =	vld [tilespmem:s19+$0x1A910]  }
0x88: {  	v2 =	vld [tilespmem:s19+$0x18120]  }
0x89: {  	v4 =	vld [tilespmem:s19+$0x1A920]  }
0x8a: {  	v18 =	vld [tilespmem:s19+$0x158B0]  }
0x8b: {  	v17 =	vld [tilespmem:s19+$0x158C0]  }
0x8c: {  	v16 =	vld [tilespmem:s19+$0x158D0]  }
0x8d: {  	v15 =	vld [tilespmem:s19+$0x158E0];
	v20 =	vmul.f32 v19, v14  }
0x8e: {  	s20 =	simm.s32 $0x200;
	v19 =	vmul.f32 v22, v21;
	v14 =	vld [tilespmem:s19+$0x158F0]  }
.LBB2_7:
0x8f: {  	p1 =	sne.s32 s20, $0x9E00;
	v18 =	vadd.f32 v20, v18;
	v7 =	vmul.f32 v12, v7;
	v12 =	vld [tilespmem:s19+$0x15900]  }
0x90: {  	v10 =	vmul.f32 v13, v10;
	v17 =	vadd.f32 v19, v17;
	v13 =	vld [tilespmem:s19+$0x15910]  }
0x91: {  	s9 =	sshra.s32 s20, $0x2;
	v9 =	vmul.f32 v11, v9;
	[tilespmem:s19+$0x158B0] =	vst v18;
	v7 =	vadd.f32 v7, v16;
	v11 =	vld [tilespmem:s19+$0x15920]  }
0x92: {  	v5 =	vmul.f32 v8, v5;
	v19 =	vld [tilespmem:s9+$0x180B0];
	[tilespmem:s19+$0x158C0] =	vst v17;
	v10 =	vadd.f32 v10, v15  }
0x93: {  	v3 =	vmul.f32 v6, v3;
	v15 =	vld [tilespmem:s9+$0x1A8B0];
	[tilespmem:s19+$0x158D0] =	vst v7;
	v7 =	vadd.f32 v9, v14  }
0x94: {  	v2 =	vmul.f32 v4, v2;
	v14 =	vld [tilespmem:s9+$0x180C0];
	[tilespmem:s19+$0x158E0] =	vst v10;
	v5 =	vadd.f32 v5, v12  }
0x95: {  	v21 =	vld [tilespmem:s9+$0x1A8C0];
	[tilespmem:s19+$0x158F0] =	vst v7;
	v3 =	vadd.f32 v3, v13  }
0x96: {  	v7 =	vld [tilespmem:s9+$0x180D0];
	[tilespmem:s19+$0x15900] =	vst v5;
	v2 =	vadd.f32 v2, v11  }
0x97: {  	v12 =	vld [tilespmem:s9+$0x1A8D0];
	[tilespmem:s19+$0x15910] =	vst v3  }
0x98: {  	v10 =	vld [tilespmem:s9+$0x180E0];
	[tilespmem:s19+$0x15920] =	vst v2;
	s19 =	smov.u32 s9  }
0x99: {  	v13 =	vld [tilespmem:s19+$0x1A8E0]  }
0x9a: {  	v9 =	vld [tilespmem:s19+$0x180F0]  }
0x9b: {  	v11 =	vld [tilespmem:s19+$0x1A8F0]  }
0x9c: {  	v5 =	vld [tilespmem:s19+$0x18100]  }
0x9d: {  	v8 =	vld [tilespmem:s19+$0x1A900]  }
0x9e: {  	v3 =	vld [tilespmem:s19+$0x18110]  }
0x9f: {  	v6 =	vld [tilespmem:s19+$0x1A910]  }
0xa0: {  	v2 =	vld [tilespmem:s19+$0x18120]  }
0xa1: {  	v4 =	vld [tilespmem:s19+$0x1A920]  }
.Ltmp2:
0xa2: {  	v18 =	vld [tilespmem:s19+$0x158B0];
	(pc) =	sbr.rel @p1 .LBB2_7-.Ltmp2, $4  }
0xa3: {  	v17 =	vld [tilespmem:s19+$0x158C0]  }
0xa4: {  	v16 =	vld [tilespmem:s19+$0x158D0]  }
0xa5: {  	v20 =	vmul.f32 v15, v19;
	v15 =	vld [tilespmem:s19+$0x158E0]  }
0xa6: {  	s20 =	sadd.s32 $0x200, s20;
	v19 =	vmul.f32 v21, v14;
	v14 =	vld [tilespmem:s19+$0x158F0]  }
0xa7: {  	v18 =	vadd.f32 v20, v18;
	v20 =	vld [tilespmem:s19+$0x15900];
	v7 =	vmul.f32 v12, v7  }
0xa8: {  	v12 =	vld [tilespmem:s19+$0x15910];
	v10 =	vmul.f32 v13, v10;
	v17 =	vadd.f32 v19, v17  }
0xa9: {  	v9 =	vmul.f32 v11, v9;
	v11 =	vld [tilespmem:s19+$0x15920];
	[tilespmem:s19+$0x158B0] =	vst v18;
	v7 =	vadd.f32 v7, v16  }
0xaa: {  	v5 =	vmul.f32 v8, v5;
	[tilespmem:s19+$0x158C0] =	vst v17;
	v10 =	vadd.f32 v10, v15  }
0xab: {  	v3 =	vmul.f32 v6, v3;
	[tilespmem:s19+$0x158D0] =	vst v7;
	v7 =	vadd.f32 v9, v14  }
0xac: {  	v2 =	vmul.f32 v4, v2;
	[tilespmem:s19+$0x158E0] =	vst v10;
	v5 =	vadd.f32 v5, v20  }
0xad: {  	v3 =	vadd.f32 v3, v12;
	[tilespmem:s19+$0x158F0] =	vst v7  }
0xae: {  	v2 =	vadd.f32 v2, v11;
	[tilespmem:s19+$0x15900] =	vst v5  }
0xaf: {  	[tilespmem:s19+$0x15910] =	vst v3  }
0xb0: {  	[tilespmem:s19+$0x15920] =	vst v2  }
0xb1: {  	[spmem:s3] =	stream.indirect.scatter.add.f32 [tilespmem:s21], [sflag:$0x3], $0x80, s6, s24, $0xb8;
	[tilespmem:$0x1F8B0] =	vst v63  }
0xb2: {  	_ =	swait.ge [sflag:s22], $0x2800  }
0xb3: {  	[sflag:s22] =	ssyncset.done $0x0  }
0xb4: {  	[sflag:s22] =	ssyncadd.s32 $0xFFFFD800  }
0xb5: {  	v2 =	vld [tilespmem:$0x15830];
	_ =	sdelay $0x7  }
0xb6: {  	[tilespmem:v2+s1+$0x0] =	vst.idx.msk $0xffff, v1  }
0xb7: {  	v2 =	vld [tilespmem:$0x15840];
	_ =	sdelay $0x7  }
0xb8: {  	[tilespmem:v2+s1+$0x0] =	vst.idx.msk $0xffff, v1  }
0xb9: {  	v2 =	vld [tilespmem:$0x15850];
	_ =	sdelay $0x7  }
0xba: {  	[tilespmem:v2+s1+$0x0] =	vst.idx.msk $0xffff, v1  }
0xbb: {  	v2 =	vld [tilespmem:$0x15860];
	_ =	sdelay $0x7  }
0xbc: {  	[tilespmem:v2+s1+$0x0] =	vst.idx.msk $0xffff, v1  }
0xbd: {  	v2 =	vld [tilespmem:$0x15870];
	_ =	sdelay $0x7  }
0xbe: {  	[tilespmem:v2+s1+$0x0] =	vst.idx.msk $0xffff, v1  }
0xbf: {  	[tilespmem:s26], [sflag:$0x1] =	stream.indirect.gather [spmem:s4], $0x80, s2, s24, $0xb8;
	[tilespmem:$0x1F8B0] =	vst v63  }
0xc0: {  	_ = 	snop  }
0xc1: {  	[tilespmem:s29], [sflag:$0x2] =	stream.indirect.gather [spmem:s7], $0x80, s5, s24, $0xb8;
	[tilespmem:$0x1F8B0] =	vst v63  }
0xc2: {  	v2 =	vld [tilespmem:$0x153E0]  }
0xc3: {  	v3 =	vld [tilespmem:$0x153F0]  }
0xc4: {  	v4 =	vld [tilespmem:$0x15400]  }
0xc5: {  	v5 =	vld [tilespmem:$0x15410]  }
0xc6: {  	v6 =	vld [tilespmem:$0x15420]  }
0xc7: {  	[tilespmem:$0x15830] =	vst v2  }
0xc8: {  	[tilespmem:$0x15840] =	vst v3  }
0xc9: {  	[tilespmem:$0x15850] =	vst v4  }
0xca: {  	[tilespmem:$0x15860] =	vst v5  }
0xcb: {  	[tilespmem:$0x15870] =	vst v6  }
0xcc: {  	_ =	swait.ge [sflag:s30], $0x2800  }
0xcd: {  	[sflag:s30] =	ssyncset.done $0x0  }
0xce: {  	[sflag:s30] =	ssyncadd.s32 $0xFFFFD800  }
0xcf: {  	_ =	swait.ge [sflag:s31], $0x2800  }
0xd0: {  	[sflag:s31] =	ssyncset.done $0x0  }
0xd1: {  	s19 =	simm.s32 $0x0;
	[sflag:s31] =	ssyncadd.s32 $0xFFFFD800  }
0xd2: {  	v14 =	vld [tilespmem:s19+$0x180B0]  }
0xd3: {  	v19 =	vld [tilespmem:s19+$0x1A8B0]  }
0xd4: {  	v21 =	vld [tilespmem:s19+$0x180C0]  }
0xd5: {  	v22 =	vld [tilespmem:s19+$0x1A8C0]  }
0xd6: {  	v7 =	vld [tilespmem:s19+$0x180D0]  }
0xd7: {  	v12 =	vld [tilespmem:s19+$0x1A8D0]  }
0xd8: {  	v10 =	vld [tilespmem:s19+$0x180E0]  }
0xd9: {  	v13 =	vld [tilespmem:s19+$0x1A8E0]  }
0xda: {  	v9 =	vld [tilespmem:s19+$0x180F0]  }
0xdb: {  	v11 =	vld [tilespmem:s19+$0x1A8F0]  }
0xdc: {  	v5 =	vld [tilespmem:s19+$0x18100]  }
0xdd: {  	v8 =	vld [tilespmem:s19+$0x1A900]  }
0xde: {  	v3 =	vld [tilespmem:s19+$0x18110]  }
0xdf: {  	v6 =	vld [tilespmem:s19+$0x1A910]  }
0xe0: {  	v2 =	vld [tilespmem:s19+$0x18120]  }
0xe1: {  	v4 =	vld [tilespmem:s19+$0x1A920]  }
0xe2: {  	v18 =	vld [tilespmem:s19+$0x158B0]  }
0xe3: {  	v17 =	vld [tilespmem:s19+$0x158C0]  }
0xe4: {  	v16 =	vld [tilespmem:s19+$0x158D0]  }
0xe5: {  	v15 =	vld [tilespmem:s19+$0x158E0];
	v20 =	vmul.f32 v19, v14  }
0xe6: {  	s20 =	simm.s32 $0x200;
	v19 =	vmul.f32 v22, v21;
	v14 =	vld [tilespmem:s19+$0x158F0]  }
.LBB2_9:
0xe7: {  	p1 =	sne.s32 s20, $0x9E00;
	v18 =	vadd.f32 v20, v18;
	v7 =	vmul.f32 v12, v7;
	v12 =	vld [tilespmem:s19+$0x15900]  }
0xe8: {  	v10 =	vmul.f32 v13, v10;
	v17 =	vadd.f32 v19, v17;
	v13 =	vld [tilespmem:s19+$0x15910]  }
0xe9: {  	s9 =	sshra.s32 s20, $0x2;
	v9 =	vmul.f32 v11, v9;
	[tilespmem:s19+$0x158B0] =	vst v18;
	v7 =	vadd.f32 v7, v16;
	v11 =	vld [tilespmem:s19+$0x15920]  }
0xea: {  	v5 =	vmul.f32 v8, v5;
	v19 =	vld [tilespmem:s9+$0x180B0];
	[tilespmem:s19+$0x158C0] =	vst v17;
	v10 =	vadd.f32 v10, v15  }
0xeb: {  	v3 =	vmul.f32 v6, v3;
	v15 =	vld [tilespmem:s9+$0x1A8B0];
	[tilespmem:s19+$0x158D0] =	vst v7;
	v7 =	vadd.f32 v9, v14  }
0xec: {  	v2 =	vmul.f32 v4, v2;
	v14 =	vld [tilespmem:s9+$0x180C0];
	[tilespmem:s19+$0x158E0] =	vst v10;
	v5 =	vadd.f32 v5, v12  }
0xed: {  	v21 =	vld [tilespmem:s9+$0x1A8C0];
	[tilespmem:s19+$0x158F0] =	vst v7;
	v3 =	vadd.f32 v3, v13  }
0xee: {  	v7 =	vld [tilespmem:s9+$0x180D0];
	[tilespmem:s19+$0x15900] =	vst v5;
	v2 =	vadd.f32 v2, v11  }
0xef: {  	v12 =	vld [tilespmem:s9+$0x1A8D0];
	[tilespmem:s19+$0x15910] =	vst v3  }
0xf0: {  	v10 =	vld [tilespmem:s9+$0x180E0];
	[tilespmem:s19+$0x15920] =	vst v2;
	s19 =	smov.u32 s9  }
0xf1: {  	v13 =	vld [tilespmem:s19+$0x1A8E0]  }
0xf2: {  	v9 =	vld [tilespmem:s19+$0x180F0]  }
0xf3: {  	v11 =	vld [tilespmem:s19+$0x1A8F0]  }
0xf4: {  	v5 =	vld [tilespmem:s19+$0x18100]  }
0xf5: {  	v8 =	vld [tilespmem:s19+$0x1A900]  }
0xf6: {  	v3 =	vld [tilespmem:s19+$0x18110]  }
0xf7: {  	v6 =	vld [tilespmem:s19+$0x1A910]  }
0xf8: {  	v2 =	vld [tilespmem:s19+$0x18120]  }
0xf9: {  	v4 =	vld [tilespmem:s19+$0x1A920]  }
.Ltmp3:
0xfa: {  	v18 =	vld [tilespmem:s19+$0x158B0];
	(pc) =	sbr.rel @p1 .LBB2_9-.Ltmp3, $4  }
0xfb: {  	v17 =	vld [tilespmem:s19+$0x158C0]  }
0xfc: {  	v16 =	vld [tilespmem:s19+$0x158D0]  }
0xfd: {  	v20 =	vmul.f32 v15, v19;
	v15 =	vld [tilespmem:s19+$0x158E0]  }
0xfe: {  	s20 =	sadd.s32 $0x200, s20;
	v19 =	vmul.f32 v21, v14;
	v14 =	vld [tilespmem:s19+$0x158F0]  }
0xff: {  	v18 =	vadd.f32 v20, v18;
	v20 =	vld [tilespmem:s19+$0x15900];
	v7 =	vmul.f32 v12, v7  }
0x100: {  	v12 =	vld [tilespmem:s19+$0x15910];
	v10 =	vmul.f32 v13, v10;
	v17 =	vadd.f32 v19, v17  }
0x101: {  	v9 =	vmul.f32 v11, v9;
	v11 =	vld [tilespmem:s19+$0x15920];
	[tilespmem:s19+$0x158B0] =	vst v18;
	v7 =	vadd.f32 v7, v16  }
0x102: {  	v5 =	vmul.f32 v8, v5;
	[tilespmem:s19+$0x158C0] =	vst v17;
	v10 =	vadd.f32 v10, v15  }
0x103: {  	v3 =	vmul.f32 v6, v3;
	[tilespmem:s19+$0x158D0] =	vst v7;
	v7 =	vadd.f32 v9, v14  }
0x104: {  	v2 =	vmul.f32 v4, v2;
	[tilespmem:s19+$0x158E0] =	vst v10;
	v5 =	vadd.f32 v5, v20  }
0x105: {  	v3 =	vadd.f32 v3, v12;
	[tilespmem:s19+$0x158F0] =	vst v7  }
0x106: {  	v2 =	vadd.f32 v2, v11;
	[tilespmem:s19+$0x15900] =	vst v5  }
0x107: {  	[tilespmem:s19+$0x15910] =	vst v3  }
0x108: {  	[tilespmem:s19+$0x15920] =	vst v2  }
0x109: {  	[spmem:s3] =	stream.indirect.scatter.add.f32 [tilespmem:s21], [sflag:$0x3], $0x80, s6, s24, $0xb8;
	[tilespmem:$0x1F8B0] =	vst v63  }
0x10a: {  	_ =	swait.ge [sflag:s22], $0x2800  }
0x10b: {  	[sflag:s22] =	ssyncset.done $0x0  }
0x10c: {  	[sflag:s22] =	ssyncadd.s32 $0xFFFFD800  }
0x10d: {  	v2 =	vld [tilespmem:$0x15830];
	_ =	sdelay $0x7  }
0x10e: {  	[tilespmem:v2+s1+$0x0] =	vst.idx.msk $0xffff, v1  }
0x10f: {  	v2 =	vld [tilespmem:$0x15840];
	_ =	sdelay $0x7  }
0x110: {  	[tilespmem:v2+s1+$0x0] =	vst.idx.msk $0xffff, v1  }
0x111: {  	v2 =	vld [tilespmem:$0x15850];
	_ =	sdelay $0x7  }
0x112: {  	[tilespmem:v2+s1+$0x0] =	vst.idx.msk $0xffff, v1  }
0x113: {  	v2 =	vld [tilespmem:$0x15860];
	_ =	sdelay $0x7  }
0x114: {  	[tilespmem:v2+s1+$0x0] =	vst.idx.msk $0xffff, v1  }
0x115: {  	v2 =	vld [tilespmem:$0x15870];
	_ =	sdelay $0x7  }
0x116: {  	[tilespmem:v2+s1+$0x0] =	vst.idx.msk $0xffff, v1  }
0x117: {  	[tilespmem:s26], [sflag:$0x1] =	stream.indirect.gather [spmem:s4], $0x80, s10, s24, $0xb8;
	[tilespmem:$0x1F8B0] =	vst v63  }
0x118: {  	_ = 	snop  }
0x119: {  	[tilespmem:s29], [sflag:$0x2] =	stream.indirect.gather [spmem:s7], $0x80, s11, s24, $0xb8;
	[tilespmem:$0x1F8B0] =	vst v63  }
0x11a: {  	v2 =	vld [tilespmem:$0x15520]  }
0x11b: {  	v3 =	vld [tilespmem:$0x15530]  }
0x11c: {  	v4 =	vld [tilespmem:$0x15540]  }
0x11d: {  	v5 =	vld [tilespmem:$0x15550]  }
0x11e: {  	v6 =	vld [tilespmem:$0x15560]  }
0x11f: {  	[tilespmem:$0x15830] =	vst v2  }
0x120: {  	[tilespmem:$0x15840] =	vst v3  }
0x121: {  	[tilespmem:$0x15850] =	vst v4  }
0x122: {  	[tilespmem:$0x15860] =	vst v5  }
0x123: {  	[tilespmem:$0x15870] =	vst v6  }
0x124: {  	_ =	swait.ge [sflag:s30], $0x2800  }
0x125: {  	[sflag:s30] =	ssyncset.done $0x0  }
0x126: {  	[sflag:s30] =	ssyncadd.s32 $0xFFFFD800  }
0x127: {  	_ =	swait.ge [sflag:s31], $0x2800  }
0x128: {  	[sflag:s31] =	ssyncset.done $0x0  }
0x129: {  	s19 =	simm.s32 $0x0;
	[sflag:s31] =	ssyncadd.s32 $0xFFFFD800  }
0x12a: {  	v14 =	vld [tilespmem:s19+$0x180B0]  }
0x12b: {  	v19 =	vld [tilespmem:s19+$0x1A8B0]  }
0x12c: {  	v21 =	vld [tilespmem:s19+$0x180C0]  }
0x12d: {  	v22 =	vld [tilespmem:s19+$0x1A8C0]  }
0x12e: {  	v7 =	vld [tilespmem:s19+$0x180D0]  }
0x12f: {  	v12 =	vld [tilespmem:s19+$0x1A8D0]  }
0x130: {  	v10 =	vld [tilespmem:s19+$0x180E0]  }
0x131: {  	v13 =	vld [tilespmem:s19+$0x1A8E0]  }
0x132: {  	v9 =	vld [tilespmem:s19+$0x180F0]  }
0x133: {  	v11 =	vld [tilespmem:s19+$0x1A8F0]  }
0x134: {  	v5 =	vld [tilespmem:s19+$0x18100]  }
0x135: {  	v8 =	vld [tilespmem:s19+$0x1A900]  }
0x136: {  	v3 =	vld [tilespmem:s19+$0x18110]  }
0x137: {  	v6 =	vld [tilespmem:s19+$0x1A910]  }
0x138: {  	v2 =	vld [tilespmem:s19+$0x18120]  }
0x139: {  	v4 =	vld [tilespmem:s19+$0x1A920]  }
0x13a: {  	v18 =	vld [tilespmem:s19+$0x158B0]  }
0x13b: {  	v17 =	vld [tilespmem:s19+$0x158C0]  }
0x13c: {  	v16 =	vld [tilespmem:s19+$0x158D0]  }
0x13d: {  	v15 =	vld [tilespmem:s19+$0x158E0];
	v20 =	vmul.f32 v19, v14  }
0x13e: {  	s20 =	simm.s32 $0x200;
	v19 =	vmul.f32 v22, v21;
	v14 =	vld [tilespmem:s19+$0x158F0]  }
.LBB2_11:
0x13f: {  	p1 =	sne.s32 s20, $0x9E00;
	v18 =	vadd.f32 v20, v18;
	v7 =	vmul.f32 v12, v7;
	v12 =	vld [tilespmem:s19+$0x15900]  }
0x140: {  	v10 =	vmul.f32 v13, v10;
	v17 =	vadd.f32 v19, v17;
	v13 =	vld [tilespmem:s19+$0x15910]  }
0x141: {  	s9 =	sshra.s32 s20, $0x2;
	v9 =	vmul.f32 v11, v9;
	[tilespmem:s19+$0x158B0] =	vst v18;
	v7 =	vadd.f32 v7, v16;
	v11 =	vld [tilespmem:s19+$0x15920]  }
0x142: {  	v5 =	vmul.f32 v8, v5;
	v19 =	vld [tilespmem:s9+$0x180B0];
	[tilespmem:s19+$0x158C0] =	vst v17;
	v10 =	vadd.f32 v10, v15  }
0x143: {  	v3 =	vmul.f32 v6, v3;
	v15 =	vld [tilespmem:s9+$0x1A8B0];
	[tilespmem:s19+$0x158D0] =	vst v7;
	v7 =	vadd.f32 v9, v14  }
0x144: {  	v2 =	vmul.f32 v4, v2;
	v14 =	vld [tilespmem:s9+$0x180C0];
	[tilespmem:s19+$0x158E0] =	vst v10;
	v5 =	vadd.f32 v5, v12  }
0x145: {  	v21 =	vld [tilespmem:s9+$0x1A8C0];
	[tilespmem:s19+$0x158F0] =	vst v7;
	v3 =	vadd.f32 v3, v13  }
0x146: {  	v7 =	vld [tilespmem:s9+$0x180D0];
	[tilespmem:s19+$0x15900] =	vst v5;
	v2 =	vadd.f32 v2, v11  }
0x147: {  	v12 =	vld [tilespmem:s9+$0x1A8D0];
	[tilespmem:s19+$0x15910] =	vst v3  }
0x148: {  	v10 =	vld [tilespmem:s9+$0x180E0];
	[tilespmem:s19+$0x15920] =	vst v2;
	s19 =	smov.u32 s9  }
0x149: {  	v13 =	vld [tilespmem:s19+$0x1A8E0]  }
0x14a: {  	v9 =	vld [tilespmem:s19+$0x180F0]  }
0x14b: {  	v11 =	vld [tilespmem:s19+$0x1A8F0]  }
0x14c: {  	v5 =	vld [tilespmem:s19+$0x18100]  }
0x14d: {  	v8 =	vld [tilespmem:s19+$0x1A900]  }
0x14e: {  	v3 =	vld [tilespmem:s19+$0x18110]  }
0x14f: {  	v6 =	vld [tilespmem:s19+$0x1A910]  }
0x150: {  	v2 =	vld [tilespmem:s19+$0x18120]  }
0x151: {  	v4 =	vld [tilespmem:s19+$0x1A920]  }
.Ltmp4:
0x152: {  	v18 =	vld [tilespmem:s19+$0x158B0];
	(pc) =	sbr.rel @p1 .LBB2_11-.Ltmp4, $4  }
0x153: {  	v17 =	vld [tilespmem:s19+$0x158C0]  }
0x154: {  	v16 =	vld [tilespmem:s19+$0x158D0]  }
0x155: {  	v20 =	vmul.f32 v15, v19;
	v15 =	vld [tilespmem:s19+$0x158E0]  }
0x156: {  	s20 =	sadd.s32 $0x200, s20;
	v19 =	vmul.f32 v21, v14;
	v14 =	vld [tilespmem:s19+$0x158F0]  }
0x157: {  	v18 =	vadd.f32 v20, v18;
	v20 =	vld [tilespmem:s19+$0x15900];
	v7 =	vmul.f32 v12, v7  }
0x158: {  	v12 =	vld [tilespmem:s19+$0x15910];
	v10 =	vmul.f32 v13, v10;
	v17 =	vadd.f32 v19, v17  }
0x159: {  	v9 =	vmul.f32 v11, v9;
	v11 =	vld [tilespmem:s19+$0x15920];
	[tilespmem:s19+$0x158B0] =	vst v18;
	v7 =	vadd.f32 v7, v16  }
0x15a: {  	v5 =	vmul.f32 v8, v5;
	[tilespmem:s19+$0x158C0] =	vst v17;
	v10 =	vadd.f32 v10, v15  }
0x15b: {  	v3 =	vmul.f32 v6, v3;
	[tilespmem:s19+$0x158D0] =	vst v7;
	v7 =	vadd.f32 v9, v14  }
0x15c: {  	v2 =	vmul.f32 v4, v2;
	[tilespmem:s19+$0x158E0] =	vst v10;
	v5 =	vadd.f32 v5, v20  }
0x15d: {  	v3 =	vadd.f32 v3, v12;
	[tilespmem:s19+$0x158F0] =	vst v7  }
0x15e: {  	v2 =	vadd.f32 v2, v11;
	[tilespmem:s19+$0x15900] =	vst v5  }
0x15f: {  	[tilespmem:s19+$0x15910] =	vst v3  }
0x160: {  	[tilespmem:s19+$0x15920] =	vst v2  }
0x161: {  	[spmem:s3] =	stream.indirect.scatter.add.f32 [tilespmem:s21], [sflag:$0x3], $0x80, s6, s24, $0xb8;
	[tilespmem:$0x1F8B0] =	vst v63  }
0x162: {  	_ =	swait.ge [sflag:s22], $0x2800  }
0x163: {  	[sflag:s22] =	ssyncset.done $0x0  }
0x164: {  	[sflag:s22] =	ssyncadd.s32 $0xFFFFD800  }
0x165: {  	v2 =	vld [tilespmem:$0x15830];
	_ =	sdelay $0x7  }
0x166: {  	[tilespmem:v2+s1+$0x0] =	vst.idx.msk $0xffff, v1  }
0x167: {  	v2 =	vld [tilespmem:$0x15840];
	_ =	sdelay $0x7  }
0x168: {  	[tilespmem:v2+s1+$0x0] =	vst.idx.msk $0xffff, v1  }
0x169: {  	v2 =	vld [tilespmem:$0x15850];
	_ =	sdelay $0x7  }
0x16a: {  	[tilespmem:v2+s1+$0x0] =	vst.idx.msk $0xffff, v1  }
0x16b: {  	v2 =	vld [tilespmem:$0x15860];
	_ =	sdelay $0x7  }
0x16c: {  	[tilespmem:v2+s1+$0x0] =	vst.idx.msk $0xffff, v1  }
0x16d: {  	v2 =	vld [tilespmem:$0x15870];
	_ =	sdelay $0x7  }
0x16e: {  	[tilespmem:v2+s1+$0x0] =	vst.idx.msk $0xffff, v1  }
0x16f: {  	[tilespmem:s26], [sflag:$0x1] =	stream.indirect.gather [spmem:s4], $0x80, s12, s24, $0xb8;
	[tilespmem:$0x1F8B0] =	vst v63  }
0x170: {  	_ = 	snop  }
0x171: {  	[tilespmem:s29], [sflag:$0x2] =	stream.indirect.gather [spmem:s7], $0x80, s13, s24, $0xb8;
	[tilespmem:$0x1F8B0] =	vst v63  }
0x172: {  	v2 =	vld [tilespmem:$0x15660]  }
0x173: {  	v3 =	vld [tilespmem:$0x15670]  }
0x174: {  	v4 =	vld [tilespmem:$0x15680]  }
0x175: {  	v5 =	vld [tilespmem:$0x15690]  }
0x176: {  	v6 =	vld [tilespmem:$0x156A0]  }
0x177: {  	[tilespmem:$0x15830] =	vst v2  }
0x178: {  	[tilespmem:$0x15840] =	vst v3  }
0x179: {  	[tilespmem:$0x15850] =	vst v4  }
0x17a: {  	[tilespmem:$0x15860] =	vst v5  }
0x17b: {  	[tilespmem:$0x15870] =	vst v6  }
0x17c: {  	_ =	swait.ge [sflag:s30], $0x2800  }
0x17d: {  	[sflag:s30] =	ssyncset.done $0x0  }
0x17e: {  	[sflag:s30] =	ssyncadd.s32 $0xFFFFD800  }
0x17f: {  	_ =	swait.ge [sflag:s31], $0x2800  }
0x180: {  	[sflag:s31] =	ssyncset.done $0x0  }
0x181: {  	s19 =	simm.s32 $0x0;
	[sflag:s31] =	ssyncadd.s32 $0xFFFFD800  }
0x182: {  	v14 =	vld [tilespmem:s19+$0x180B0]  }
0x183: {  	v19 =	vld [tilespmem:s19+$0x1A8B0]  }
0x184: {  	v21 =	vld [tilespmem:s19+$0x180C0]  }
0x185: {  	v22 =	vld [tilespmem:s19+$0x1A8C0]  }
0x186: {  	v7 =	vld [tilespmem:s19+$0x180D0]  }
0x187: {  	v12 =	vld [tilespmem:s19+$0x1A8D0]  }
0x188: {  	v10 =	vld [tilespmem:s19+$0x180E0]  }
0x189: {  	v13 =	vld [tilespmem:s19+$0x1A8E0]  }
0x18a: {  	v9 =	vld [tilespmem:s19+$0x180F0]  }
0x18b: {  	v11 =	vld [tilespmem:s19+$0x1A8F0]  }
0x18c: {  	v5 =	vld [tilespmem:s19+$0x18100]  }
0x18d: {  	v8 =	vld [tilespmem:s19+$0x1A900]  }
0x18e: {  	v3 =	vld [tilespmem:s19+$0x18110]  }
0x18f: {  	v6 =	vld [tilespmem:s19+$0x1A910]  }
0x190: {  	v2 =	vld [tilespmem:s19+$0x18120]  }
0x191: {  	v4 =	vld [tilespmem:s19+$0x1A920]  }
0x192: {  	v18 =	vld [tilespmem:s19+$0x158B0]  }
0x193: {  	v17 =	vld [tilespmem:s19+$0x158C0]  }
0x194: {  	v16 =	vld [tilespmem:s19+$0x158D0]  }
0x195: {  	v15 =	vld [tilespmem:s19+$0x158E0];
	v20 =	vmul.f32 v19, v14  }
0x196: {  	s20 =	simm.s32 $0x200;
	v19 =	vmul.f32 v22, v21;
	v14 =	vld [tilespmem:s19+$0x158F0]  }
.LBB2_13:
0x197: {  	p1 =	sne.s32 s20, $0x9E00;
	v18 =	vadd.f32 v20, v18;
	v7 =	vmul.f32 v12, v7;
	v12 =	vld [tilespmem:s19+$0x15900]  }
0x198: {  	v10 =	vmul.f32 v13, v10;
	v17 =	vadd.f32 v19, v17;
	v13 =	vld [tilespmem:s19+$0x15910]  }
0x199: {  	s9 =	sshra.s32 s20, $0x2;
	v9 =	vmul.f32 v11, v9;
	[tilespmem:s19+$0x158B0] =	vst v18;
	v7 =	vadd.f32 v7, v16;
	v11 =	vld [tilespmem:s19+$0x15920]  }
0x19a: {  	v5 =	vmul.f32 v8, v5;
	v19 =	vld [tilespmem:s9+$0x180B0];
	[tilespmem:s19+$0x158C0] =	vst v17;
	v10 =	vadd.f32 v10, v15  }
0x19b: {  	v3 =	vmul.f32 v6, v3;
	v15 =	vld [tilespmem:s9+$0x1A8B0];
	[tilespmem:s19+$0x158D0] =	vst v7;
	v7 =	vadd.f32 v9, v14  }
0x19c: {  	v2 =	vmul.f32 v4, v2;
	v14 =	vld [tilespmem:s9+$0x180C0];
	[tilespmem:s19+$0x158E0] =	vst v10;
	v5 =	vadd.f32 v5, v12  }
0x19d: {  	v21 =	vld [tilespmem:s9+$0x1A8C0];
	[tilespmem:s19+$0x158F0] =	vst v7;
	v3 =	vadd.f32 v3, v13  }
0x19e: {  	v7 =	vld [tilespmem:s9+$0x180D0];
	[tilespmem:s19+$0x15900] =	vst v5;
	v2 =	vadd.f32 v2, v11  }
0x19f: {  	v12 =	vld [tilespmem:s9+$0x1A8D0];
	[tilespmem:s19+$0x15910] =	vst v3  }
0x1a0: {  	v10 =	vld [tilespmem:s9+$0x180E0];
	[tilespmem:s19+$0x15920] =	vst v2;
	s19 =	smov.u32 s9  }
0x1a1: {  	v13 =	vld [tilespmem:s19+$0x1A8E0]  }
0x1a2: {  	v9 =	vld [tilespmem:s19+$0x180F0]  }
0x1a3: {  	v11 =	vld [tilespmem:s19+$0x1A8F0]  }
0x1a4: {  	v5 =	vld [tilespmem:s19+$0x18100]  }
0x1a5: {  	v8 =	vld [tilespmem:s19+$0x1A900]  }
0x1a6: {  	v3 =	vld [tilespmem:s19+$0x18110]  }
0x1a7: {  	v6 =	vld [tilespmem:s19+$0x1A910]  }
0x1a8: {  	v2 =	vld [tilespmem:s19+$0x18120]  }
0x1a9: {  	v4 =	vld [tilespmem:s19+$0x1A920]  }
.Ltmp5:
0x1aa: {  	v18 =	vld [tilespmem:s19+$0x158B0];
	(pc) =	sbr.rel @p1 .LBB2_13-.Ltmp5, $4  }
0x1ab: {  	v17 =	vld [tilespmem:s19+$0x158C0]  }
0x1ac: {  	v16 =	vld [tilespmem:s19+$0x158D0]  }
0x1ad: {  	v20 =	vmul.f32 v15, v19;
	v15 =	vld [tilespmem:s19+$0x158E0]  }
0x1ae: {  	s20 =	sadd.s32 $0x200, s20;
	v19 =	vmul.f32 v21, v14;
	v14 =	vld [tilespmem:s19+$0x158F0]  }
0x1af: {  	v18 =	vadd.f32 v20, v18;
	v20 =	vld [tilespmem:s19+$0x15900];
	v7 =	vmul.f32 v12, v7  }
0x1b0: {  	v12 =	vld [tilespmem:s19+$0x15910];
	v10 =	vmul.f32 v13, v10;
	v17 =	vadd.f32 v19, v17  }
0x1b1: {  	v9 =	vmul.f32 v11, v9;
	v11 =	vld [tilespmem:s19+$0x15920];
	[tilespmem:s19+$0x158B0] =	vst v18;
	v7 =	vadd.f32 v7, v16  }
0x1b2: {  	v5 =	vmul.f32 v8, v5;
	[tilespmem:s19+$0x158C0] =	vst v17;
	v10 =	vadd.f32 v10, v15  }
0x1b3: {  	v3 =	vmul.f32 v6, v3;
	[tilespmem:s19+$0x158D0] =	vst v7;
	v7 =	vadd.f32 v9, v14  }
0x1b4: {  	v2 =	vmul.f32 v4, v2;
	[tilespmem:s19+$0x158E0] =	vst v10;
	v5 =	vadd.f32 v5, v20  }
0x1b5: {  	v3 =	vadd.f32 v3, v12;
	[tilespmem:s19+$0x158F0] =	vst v7  }
0x1b6: {  	v2 =	vadd.f32 v2, v11;
	[tilespmem:s19+$0x15900] =	vst v5  }
0x1b7: {  	[tilespmem:s19+$0x15910] =	vst v3  }
0x1b8: {  	[tilespmem:s19+$0x15920] =	vst v2  }
0x1b9: {  	[spmem:s3] =	stream.indirect.scatter.add.f32 [tilespmem:s21], [sflag:$0x3], $0x80, s6, s24, $0xb8;
	[tilespmem:$0x1F8B0] =	vst v63  }
0x1ba: {  	_ =	swait.ge [sflag:s22], $0x2800  }
0x1bb: {  	[sflag:s22] =	ssyncset.done $0x0  }
0x1bc: {  	[sflag:s22] =	ssyncadd.s32 $0xFFFFD800  }
0x1bd: {  	v2 =	vld [tilespmem:$0x15830];
	_ =	sdelay $0x7  }
0x1be: {  	[tilespmem:v2+s1+$0x0] =	vst.idx.msk $0xffff, v1  }
0x1bf: {  	v2 =	vld [tilespmem:$0x15840];
	_ =	sdelay $0x7  }
0x1c0: {  	[tilespmem:v2+s1+$0x0] =	vst.idx.msk $0xffff, v1  }
0x1c1: {  	v2 =	vld [tilespmem:$0x15850];
	_ =	sdelay $0x7  }
0x1c2: {  	[tilespmem:v2+s1+$0x0] =	vst.idx.msk $0xffff, v1  }
0x1c3: {  	v2 =	vld [tilespmem:$0x15860];
	_ =	sdelay $0x7  }
0x1c4: {  	[tilespmem:v2+s1+$0x0] =	vst.idx.msk $0xffff, v1  }
0x1c5: {  	v2 =	vld [tilespmem:$0x15870];
	_ =	sdelay $0x7  }
0x1c6: {  	[tilespmem:v2+s1+$0x0] =	vst.idx.msk $0xffff, v1  }
0x1c7: {  	[tilespmem:s26], [sflag:$0x1] =	stream.indirect.gather [spmem:s4], $0x80, s14, s24, $0xb8;
	[tilespmem:$0x1F8B0] =	vst v63  }
0x1c8: {  	_ = 	snop  }
0x1c9: {  	[tilespmem:s29], [sflag:$0x2] =	stream.indirect.gather [spmem:s7], $0x80, s15, s24, $0xb8;
	[tilespmem:$0x1F8B0] =	vst v63  }
0x1ca: {  	v2 =	vld [tilespmem:$0x157A0]  }
0x1cb: {  	v3 =	vld [tilespmem:$0x157B0]  }
0x1cc: {  	v4 =	vld [tilespmem:$0x157C0]  }
0x1cd: {  	v5 =	vld [tilespmem:$0x157D0]  }
0x1ce: {  	v6 =	vld [tilespmem:$0x157E0]  }
0x1cf: {  	[tilespmem:$0x15830] =	vst v2  }
0x1d0: {  	[tilespmem:$0x15840] =	vst v3  }
0x1d1: {  	[tilespmem:$0x15850] =	vst v4  }
0x1d2: {  	[tilespmem:$0x15860] =	vst v5  }
0x1d3: {  	[tilespmem:$0x15870] =	vst v6  }
0x1d4: {  	_ =	swait.ge [sflag:s30], $0x2800  }
0x1d5: {  	[sflag:s30] =	ssyncset.done $0x0  }
0x1d6: {  	[sflag:s30] =	ssyncadd.s32 $0xFFFFD800  }
0x1d7: {  	_ =	swait.ge [sflag:s31], $0x2800  }
0x1d8: {  	[sflag:s31] =	ssyncset.done $0x0  }
0x1d9: {  	s19 =	simm.s32 $0x0;
	[sflag:s31] =	ssyncadd.s32 $0xFFFFD800  }
0x1da: {  	v14 =	vld [tilespmem:s19+$0x180B0]  }
0x1db: {  	v19 =	vld [tilespmem:s19+$0x1A8B0]  }
0x1dc: {  	v21 =	vld [tilespmem:s19+$0x180C0]  }
0x1dd: {  	v22 =	vld [tilespmem:s19+$0x1A8C0]  }
0x1de: {  	v7 =	vld [tilespmem:s19+$0x180D0]  }
0x1df: {  	v12 =	vld [tilespmem:s19+$0x1A8D0]  }
0x1e0: {  	v10 =	vld [tilespmem:s19+$0x180E0]  }
0x1e1: {  	v13 =	vld [tilespmem:s19+$0x1A8E0]  }
0x1e2: {  	v9 =	vld [tilespmem:s19+$0x180F0]  }
0x1e3: {  	v11 =	vld [tilespmem:s19+$0x1A8F0]  }
0x1e4: {  	v5 =	vld [tilespmem:s19+$0x18100]  }
0x1e5: {  	v8 =	vld [tilespmem:s19+$0x1A900]  }
0x1e6: {  	v3 =	vld [tilespmem:s19+$0x18110]  }
0x1e7: {  	v6 =	vld [tilespmem:s19+$0x1A910]  }
0x1e8: {  	v2 =	vld [tilespmem:s19+$0x18120]  }
0x1e9: {  	v4 =	vld [tilespmem:s19+$0x1A920]  }
0x1ea: {  	v18 =	vld [tilespmem:s19+$0x158B0]  }
0x1eb: {  	v17 =	vld [tilespmem:s19+$0x158C0]  }
0x1ec: {  	v16 =	vld [tilespmem:s19+$0x158D0]  }
0x1ed: {  	v15 =	vld [tilespmem:s19+$0x158E0];
	v20 =	vmul.f32 v19, v14  }
0x1ee: {  	s20 =	simm.s32 $0x200;
	v19 =	vmul.f32 v22, v21;
	v14 =	vld [tilespmem:s19+$0x158F0]  }
.LBB2_15:
0x1ef: {  	p1 =	sne.s32 s20, $0x9E00;
	v18 =	vadd.f32 v20, v18;
	v7 =	vmul.f32 v12, v7;
	v12 =	vld [tilespmem:s19+$0x15900]  }
0x1f0: {  	v10 =	vmul.f32 v13, v10;
	v17 =	vadd.f32 v19, v17;
	v13 =	vld [tilespmem:s19+$0x15910]  }
0x1f1: {  	s9 =	sshra.s32 s20, $0x2;
	v9 =	vmul.f32 v11, v9;
	[tilespmem:s19+$0x158B0] =	vst v18;
	v7 =	vadd.f32 v7, v16;
	v11 =	vld [tilespmem:s19+$0x15920]  }
0x1f2: {  	v5 =	vmul.f32 v8, v5;
	v19 =	vld [tilespmem:s9+$0x180B0];
	[tilespmem:s19+$0x158C0] =	vst v17;
	v10 =	vadd.f32 v10, v15  }
0x1f3: {  	v3 =	vmul.f32 v6, v3;
	v15 =	vld [tilespmem:s9+$0x1A8B0];
	[tilespmem:s19+$0x158D0] =	vst v7;
	v7 =	vadd.f32 v9, v14  }
0x1f4: {  	v2 =	vmul.f32 v4, v2;
	v14 =	vld [tilespmem:s9+$0x180C0];
	[tilespmem:s19+$0x158E0] =	vst v10;
	v5 =	vadd.f32 v5, v12  }
0x1f5: {  	v21 =	vld [tilespmem:s9+$0x1A8C0];
	[tilespmem:s19+$0x158F0] =	vst v7;
	v3 =	vadd.f32 v3, v13  }
0x1f6: {  	v7 =	vld [tilespmem:s9+$0x180D0];
	[tilespmem:s19+$0x15900] =	vst v5;
	v2 =	vadd.f32 v2, v11  }
0x1f7: {  	v12 =	vld [tilespmem:s9+$0x1A8D0];
	[tilespmem:s19+$0x15910] =	vst v3  }
0x1f8: {  	v10 =	vld [tilespmem:s9+$0x180E0];
	[tilespmem:s19+$0x15920] =	vst v2;
	s19 =	smov.u32 s9  }
0x1f9: {  	v13 =	vld [tilespmem:s19+$0x1A8E0]  }
0x1fa: {  	v9 =	vld [tilespmem:s19+$0x180F0]  }
0x1fb: {  	v11 =	vld [tilespmem:s19+$0x1A8F0]  }
0x1fc: {  	v5 =	vld [tilespmem:s19+$0x18100]  }
0x1fd: {  	v8 =	vld [tilespmem:s19+$0x1A900]  }
0x1fe: {  	v3 =	vld [tilespmem:s19+$0x18110]  }
0x1ff: {  	v6 =	vld [tilespmem:s19+$0x1A910]  }
0x200: {  	v2 =	vld [tilespmem:s19+$0x18120]  }
0x201: {  	v4 =	vld [tilespmem:s19+$0x1A920]  }
.Ltmp6:
0x202: {  	v18 =	vld [tilespmem:s19+$0x158B0];
	(pc) =	sbr.rel @p1 .LBB2_15-.Ltmp6, $4  }
0x203: {  	v17 =	vld [tilespmem:s19+$0x158C0]  }
0x204: {  	v16 =	vld [tilespmem:s19+$0x158D0]  }
0x205: {  	v20 =	vmul.f32 v15, v19;
	v15 =	vld [tilespmem:s19+$0x158E0]  }
0x206: {  	s20 =	sadd.s32 $0x200, s20;
	v19 =	vmul.f32 v21, v14;
	v14 =	vld [tilespmem:s19+$0x158F0]  }
0x207: {  	v18 =	vadd.f32 v20, v18;
	v60 =	vld [tilespmem:s19+$0x15900];
	v7 =	vmul.f32 v12, v7  }
0x208: {  	v61 =	vld [tilespmem:s19+$0x15910];
	v10 =	vmul.f32 v13, v10;
	v17 =	vadd.f32 v19, v17  }
0x209: {  	v9 =	vmul.f32 v11, v9;
	v62 =	vld [tilespmem:s19+$0x15920];
	[tilespmem:s19+$0x158B0] =	vst v18;
	v7 =	vadd.f32 v7, v16  }
0x20a: {  	v5 =	vmul.f32 v8, v5;
	[tilespmem:s19+$0x158C0] =	vst v17;
	v10 =	vadd.f32 v10, v15  }
0x20b: {  	v3 =	vmul.f32 v6, v3;
	[tilespmem:s19+$0x158D0] =	vst v7;
	v63 =	vadd.f32 v9, v14  }
0x20c: {  	v2 =	vmul.f32 v4, v2;
	[tilespmem:s19+$0x158E0] =	vst v10;
	v5 =	vadd.f32 v5, v60  }
0x20d: {  	v3 =	vadd.f32 v3, v61;
	[tilespmem:s19+$0x158F0] =	vst v63  }
0x20e: {  	v2 =	vadd.f32 v2, v62;
	[tilespmem:s19+$0x15900] =	vst v5  }
0x20f: {  	[tilespmem:s19+$0x15910] =	vst v3  }
0x210: {  	[tilespmem:s19+$0x15920] =	vst v2  }
0x211: {  	[spmem:s3] =	stream.indirect.scatter.add.f32 [tilespmem:s21], [sflag:$0x3], $0x80, s6, s24, $0xb8;
	[tilespmem:$0x1F8B0] =	vst v63  }
0x212: {  	_ =	swait.ge [sflag:s22], $0x2800  }
0x213: {  	[sflag:s22] =	ssyncset.done $0x0  }
0x214: {  	[sflag:s22] =	ssyncadd.s32 $0xFFFFD800  }
0x215: {  	v2 =	vld [tilespmem:$0x15830];
	_ =	sdelay $0x7  }
0x216: {  	[tilespmem:v2+s1+$0x0] =	vst.idx.msk $0xffff, v1  }
0x217: {  	v2 =	vld [tilespmem:$0x15840];
	_ =	sdelay $0x7  }
0x218: {  	[tilespmem:v2+s1+$0x0] =	vst.idx.msk $0xffff, v1  }
0x219: {  	v2 =	vld [tilespmem:$0x15850];
	_ =	sdelay $0x7  }
0x21a: {  	[tilespmem:v2+s1+$0x0] =	vst.idx.msk $0xffff, v1  }
0x21b: {  	v2 =	vld [tilespmem:$0x15860];
	_ =	sdelay $0x7  }
0x21c: {  	[tilespmem:v2+s1+$0x0] =	vst.idx.msk $0xffff, v1  }
0x21d: {  	v2 =	vld [tilespmem:$0x15870];
	_ =	sdelay $0x1  }
0x21e: {  	s18 =	sadd.s32 $0x1, s18  }
0x21f: {  	p1 =	sne.s32 s18, $0x19  }
.Ltmp7:
0x220: {  	_ = 	snop;
	(pc) =	sbr.rel @p1 .LBB2_6-.Ltmp7, $2  }
0x221: {  	_ =	sdelay $0x2  }
0x222: {  	[tilespmem:v2+s1+$0x0] =	vst.idx.msk $0xffff, v1  }
0x223: {  	s9 =	stileid.u32;
	[bflag:$0x0] =	sbarrier.arrive $0xFFFF  }
0x224: {  	s9 =	sshll.u32 s9, $0x6;
	s19 =	rddreg [dreg:$0x8]  }
0x225: {  	s18 =	rddreg [dreg:$0x10];
	s9 =	sor.u32 $0x1C03, s9;
	s16 =	sshrl.u32 s19, $0x3  }
0x226: {  	[hbm:s18], [sflag:s9] =	dma.local [spmem:s16], $0x2800  }
0x227: {  	_ =	swait.ge [sflag:s22], $0x2800  }
0x228: {  	s20 =	simm.s32 $0x400;
	[sflag:s22] =	ssyncset.done $0x0  }
0x229: {  	s18 =	simm.s32 $0x80;
	s16 =	rddreg [dreg:$0x11];
	[sflag:s22] =	ssyncadd.s32 $0xFFFFD800  }
0x22a: {  	[hbm4b:s16+s18] =	stream.strided.scatter [tilespmem:s1], [sflag:$0x3], $0x2800, s20, s18, $0x38;
	[tilespmem:$0x1F8B0] =	vst v63  }
0x22b: {  	_ =	swait.ge [sflag:s22], $0x2800  }
0x22c: {  	s8 =	sadd.s32 $0x1, s8;
	s20 =	rddreg [dreg:$0x12]  }
0x22d: {  	p1 =	sne.s32 s8, s20  }
.Ltmp8:
0x22e: {  	_ = 	snop;
	(pc) =	sbr.rel @p1 .LBB2_1-.Ltmp8, $3  }
0x22f: {  	_ =	sdelay $0x1  }
0x230: {  	[sflag:s22] =	ssyncset.done $0x0  }
0x231: {  	[sflag:s22] =	ssyncadd.s32 $0xFFFFD800  }
0x232: {  	_ =	sfence.sel $0x180000  }
0x233: {  	[bflag:$0x0] =	sbarrier.arrive $0xFFFF  }
0x234: {  	_ =	strace $0x90000047  }
0x235: {  	[bflag:$0x2] =	sbarrier.arrive $0xFFFF  }
0x236: {  	s0 =	rddreg [dreg:$0x7]  }
0x237: {  	s0 =	sadd.s32 @!p0 $0x100000, s0  }
0x238: {  	[sflag:s0] =	ssyncadd.tile.s32 @!p0 $0x1;
	_ =	shalt  }
.Lfunc_end2:
_tile_overlayer_lowered:
.L_overlay_start_2:
0x239: {  	(tag) =	ssettag $0x2  }
0x23a: {  	s0 =	rddreg [dreg:$0x0];
	s2 =	stileid.u32  }
0x23b: {  	s1 =	rddreg [dreg:$0x1];
	p0 =	sne.s32 s2, $0x0  }
0x23c: {  	s3 =	rddreg [dreg:$0x2];
	[bflag:$0x3] =	sbarrier.arrive $0xFFFF;
	s2 =	simm.s32 @!p0 $0x1C03  }
0x23d: {  	[timem:s3], [sflag:s2] =	dma.local @!p0 [hbm:s0], s1  }
0x23e: {  	s0 =	simm.s32 @!p0 $0x3  }
0x23f: {  	_ =	swait.ge @!p0 [sflag:s0], s1  }
0x240: {  	s1 =	ssub.s32 @!p0 $0x0, s1;
	[sflag:s0] =	ssyncset.done @!p0 $0x0  }
0x241: {  	[sflag:s0] =	ssyncadd.s32 @!p0 s1  }
0x242: {  	[bflag:$0x3] =	sbarrier.arrive $0xFFFF  }
0x243: {  	_ =	shalt  }

</sc_bundles>
